<compile_context>
chip_gen: v7x
topology: tpu7x:2x2x1
jax: 0.10.2.dev20260603
libtpu: 0.0.44.dev20260713+nightly
codegen_flags: <defaults>
</compile_context>

<pallas_src>
import jax
import jax.numpy as jnp
from jax import lax
from jax.experimental import pallas as pl
from jax.experimental.pallas import tpu as pltpu
from jax.experimental.pallas import tpu_sc as plsc

N = 10000
E = 160000
D = 256
R = 7
OUT = 256
H = 128
NC = 2
NS = 16
LANES = 16
RN = R * N

CH = 128
EPT = 10240
E_PAD = EPT * NS
CPT = EPT // CH
ACC_ROWS = 10240
RPT = ACC_ROWS // NS
FB = 64

BN = 2000
NB = N // BN


def _tc_body(x_ref, w_ref, y_ref):
    y_ref[...] = lax.dot_general(
        x_ref[...], w_ref[...],
        (((1,), (1,)), ((), ())),
        preferred_element_type=jnp.float32)


def _tc_transform(x, W):
    return pl.pallas_call(
        _tc_body,
        grid=(NC, R),
        in_specs=[
            pl.BlockSpec((N, D), lambda h, r: (0, 0)),
            pl.BlockSpec((H, D), lambda h, r: (h, r)),
        ],
        out_specs=pl.BlockSpec((N, H), lambda h, r: (h * R + r, 0)),
        out_shape=jax.ShapeDtypeStruct((NC * RN, H), jnp.float32),
    )(x, W)


def _tc_epilogue_body(a0_ref, a1_ref, b_ref, out_ref):
    y = jnp.concatenate([a0_ref[0], a1_ref[0]], axis=1) + b_ref[...]
    out_ref[...] = jnp.maximum(y, 0.0)


def _tc_epilogue(raw, b):
    bn2 = 2000
    return pl.pallas_call(
        _tc_epilogue_body,
        grid=(N // bn2,),
        in_specs=[
            pl.BlockSpec((1, bn2, H), lambda i: (0, i, 0)),
            pl.BlockSpec((1, bn2, H), lambda i: (1, i, 0)),
            pl.BlockSpec((1, OUT), lambda i: (0, 0)),
        ],
        out_specs=pl.BlockSpec((bn2, OUT), lambda i: (i, 0)),
        out_shape=jax.ShapeDtypeStruct((N, OUT), jnp.float32),
    )(raw, raw, b.reshape(1, OUT))


def _sc_body(y_h, src_h, et_h, dst_h, raw_h,
             idx0, idx1, g0, g1, db0, db1, rows0, rows1, obuf, acc,
             si0, si1, sg0, sg1, ss0, ss1):
    idxs = (idx0, idx1)
    gs = (g0, g1)
    dbs = (db0, db1)
    rows = (rows0, rows1)
    sis = (si0, si1)
    sgs = (sg0, sg1)
    sss = (ss0, ss1)
    cid = lax.axis_index("c")
    sid = lax.axis_index("s")

    with jax.named_scope("acc_zero"):
        zero16 = jnp.zeros((LANES,), jnp.float32)

        def zrow(i, c):
            for j in range(H // LANES):
                obuf[i, pl.ds(j * LANES, LANES)] = zero16
            return c

        lax.fori_loop(0, FB, zrow, 0)

        def zcp(k, c):
            pltpu.sync_copy(obuf.at[pl.ds(0, FB)],
                            acc.at[pl.ds(sid * RPT + k * FB, FB)])
            return c

        lax.fori_loop(0, RPT // FB, zcp, 0)

        plsc.subcore_barrier()

    half_off = lax.broadcast(cid * RN, (LANES,))
    cbase = sid * CPT

    def issue_idx(j, p):
        base = (cbase + j) * CH
        pltpu.async_copy(src_h.at[pl.ds(base, CH)], idxs[p].at[0], sis[p])
        pltpu.async_copy(et_h.at[pl.ds(base, CH)], idxs[p].at[1], sis[p])
        pltpu.async_copy(dst_h.at[pl.ds(base, CH)], idxs[p].at[2], sis[p])

    def wait_idx(j, p):
        base = (cbase + j) * CH
        pltpu.make_async_copy(src_h.at[pl.ds(base, CH)], idxs[p].at[0], sis[p]).wait()
        pltpu.make_async_copy(et_h.at[pl.ds(base, CH)], idxs[p].at[1], sis[p]).wait()
        pltpu.make_async_copy(dst_h.at[pl.ds(base, CH)], idxs[p].at[2], sis[p]).wait()

    def compute(p):
        for jj in range(CH // LANES):
            sl = pl.ds(jj * LANES, LANES)
            gs[p][sl] = idxs[p][1, sl] * N + idxs[p][0, sl] + half_off
            dbs[p][sl] = idxs[p][2, sl]

    def issue_gather(p):
        pltpu.async_copy(y_h.at[gs[p]], rows[p], sgs[p])

    def wait_gather(p):
        pltpu.make_async_copy(y_h.at[gs[p]], rows[p], sgs[p]).wait()

    def issue_scatter(p):
        pltpu.async_copy(rows[p], acc.at[dbs[p]], sss[p], add=True)

    def wait_scatter(p):
        pltpu.make_async_copy(rows[p], acc.at[dbs[p]], sss[p]).wait()

    with jax.named_scope("edge_sweep"):
        issue_idx(0, 0)
        issue_idx(1, 1)
        wait_idx(0, 0)
        compute(0)
        issue_gather(0)

        def pair(k, c):
            for b in range(2):
                j = 2 * k + b
                p = b
                q = 1 - b

                @pl.when(j + 1 < CPT)
                def _():
                    wait_idx(j + 1, q)

                @pl.when(jnp.logical_and(j > 0, j <= CPT))
                def _():
                    wait_scatter(q)

                @pl.when(j + 1 < CPT)
                def _():
                    compute(q)
                    issue_gather(q)

                @pl.when(j + 2 < CPT)
                def _():
                    issue_idx(j + 2, p)

                @pl.when(j < CPT)
                def _():
                    wait_gather(p)
                    issue_scatter(p)
            return c

        lax.fori_loop(0, (CPT + 2) // 2, pair, 0)

        plsc.subcore_barrier()

    with jax.named_scope("raw_out"):
        @pl.when(sid < NS - 1)
        def _():
            pltpu.sync_copy(acc.at[pl.ds(sid * RPT, RPT)],
                            raw_h.at[cid, pl.ds(sid * RPT, RPT)])

        @pl.when(sid == NS - 1)
        def _():
            tail0 = (NS - 1) * RPT
            pltpu.sync_copy(acc.at[pl.ds(tail0, N - tail0)],
                            raw_h.at[cid, pl.ds(tail0, N - tail0)])


def _sc_aggregate(y, src, et, dst):
    mesh = plsc.VectorSubcoreMesh(
        core_axis_name="c", subcore_axis_name="s",
        num_cores=NC, num_subcores=NS)
    f = pl.kernel(
        _sc_body,
        out_type=jax.ShapeDtypeStruct((NC, N, H), jnp.float32),
        mesh=mesh,
        scratch_types=[
            pltpu.VMEM((3, CH), jnp.int32),
            pltpu.VMEM((3, CH), jnp.int32),
            pltpu.VMEM((CH,), jnp.int32),
            pltpu.VMEM((CH,), jnp.int32),
            pltpu.VMEM((CH,), jnp.int32),
            pltpu.VMEM((CH,), jnp.int32),
            pltpu.VMEM((CH, H), jnp.float32),
            pltpu.VMEM((CH, H), jnp.float32),
            pltpu.VMEM((FB, H), jnp.float32),
            pltpu.VMEM_SHARED((ACC_ROWS, H), jnp.float32),
            pltpu.SemaphoreType.DMA,
            pltpu.SemaphoreType.DMA,
            pltpu.SemaphoreType.DMA,
            pltpu.SemaphoreType.DMA,
            pltpu.SemaphoreType.DMA,
            pltpu.SemaphoreType.DMA,
        ],
    )
    return f(y, src, et, dst)


def kernel(x, edge_index, edge_type, W, b):
    src = edge_index[0].astype(jnp.int32)
    dst = edge_index[1].astype(jnp.int32)
    et = edge_type.astype(jnp.int32)
    pad = E_PAD - E
    spread = jnp.arange(pad, dtype=jnp.int32)
    src = jnp.concatenate([src, spread % N])
    et = jnp.concatenate([et, jnp.zeros((pad,), jnp.int32)])
    dst = jnp.concatenate([dst, N + (spread % (ACC_ROWS - N))])
    y = _tc_transform(x, W)
    raw = _sc_aggregate(y, src, et, dst)
    return _tc_epilogue(raw, b)

# --- scband reference (transcript-rebuilt; emitter-appended) ---
"""Pipeline reference for scband-geometric-relational-graph-conv-18227841204446 (READ-ONLY COPY).

The authoritative reference and input builder live on the scoring server;
editing this copy changes nothing except your own understanding.
"""

import jax, jax.numpy as jnp
import numpy as np

N = 10000
E = 160000
D = 256
R = 7
OUT = 256


def setup_inputs(seed: int = 0) -> dict:
    key = jax.random.key(seed)
    k1, k2, k3, k4, k5 = jax.random.split(key, 5)
    x = jax.random.normal(k1, (N, D), dtype=jnp.float32)
    edge_index = jax.random.randint(k2, (2, E), 0, N, dtype=jnp.int64)
    edge_type = jax.random.randint(k3, (E,), 0, R, dtype=jnp.int64)
    W = jax.random.normal(k4, (OUT, R * D), dtype=jnp.float32) * (1.0 / np.sqrt(R * D))
    b = jax.random.normal(k5, (OUT,), dtype=jnp.float32) * 0.01
    return {"x": x, "edge_index": edge_index, "edge_type": edge_type, "W": W, "b": b}


def reference(x, edge_index, edge_type, W, b):
    num_nodes = x.shape[0]
    src = edge_index[0]
    dst = edge_index[1]
    # gather source node features as messages
    message = jnp.take(x, src, axis=0)  # [E, D]
    # scatter-add into (dst, relation) bins
    scatter_idx = dst * R + edge_type  # [E]
    update = jax.ops.segment_sum(message, scatter_idx, num_segments=num_nodes * R)  # [N*R, D]
    update = update.reshape(num_nodes, R * D)  # [N, R*D]
    output = update @ W.T + b  # [N, OUT]
    output = jax.nn.relu(output)
    return output

if __name__ == "__main__":
    import jax
    _d = setup_inputs()
    print(jax.jit(kernel)(*tuple(_d.values())))

</pallas_src>

<mosaic_0001>
#map = affine_map<(d0, d1) -> (0, 0)>
#map1 = affine_map<(d0, d1) -> (0)>
#map2 = affine_map<(d0, d1) -> (0, 0, 0)>
module attributes {stable_mosaic.version = 14 : i64} {
  func.func @_sc_body(%arg0: i32, %arg1: i32, %arg2: memref<140000x128xf32, #tpu.memory_space<hbm>>, %arg3: memref<163840xi32, #tpu.memory_space<hbm>>, %arg4: memref<163840xi32, #tpu.memory_space<hbm>>, %arg5: memref<163840xi32, #tpu.memory_space<hbm>>, %arg6: memref<2x10000x128xf32, #tpu.memory_space<hbm>>, %arg7: memref<3x128xi32, #tpu.memory_space<vmem>>, %arg8: memref<3x128xi32, #tpu.memory_space<vmem>>, %arg9: memref<128xi32, #tpu.memory_space<vmem>>, %arg10: memref<128xi32, #tpu.memory_space<vmem>>, %arg11: memref<128xi32, #tpu.memory_space<vmem>>, %arg12: memref<128xi32, #tpu.memory_space<vmem>>, %arg13: memref<128x128xf32, #tpu.memory_space<vmem>>, %arg14: memref<128x128xf32, #tpu.memory_space<vmem>>, %arg15: memref<64x128xf32, #tpu.memory_space<vmem>>, %arg16: memref<10240x128xf32, #tpu.memory_space<vmem_shared>>, %arg17: memref<!tpu.dma_semaphore, #tpu.memory_space<semaphore_mem>>, %arg18: memref<!tpu.dma_semaphore, #tpu.memory_space<semaphore_mem>>, %arg19: memref<!tpu.dma_semaphore, #tpu.memory_space<semaphore_mem>>, %arg20: memref<!tpu.dma_semaphore, #tpu.memory_space<semaphore_mem>>, %arg21: memref<!tpu.dma_semaphore, #tpu.memory_space<semaphore_mem>>, %arg22: memref<!tpu.dma_semaphore, #tpu.memory_space<semaphore_mem>>) attributes {dimension_semantics = [#tpu.dimension_semantics<core_parallel>, #tpu.dimension_semantics<subcore_parallel>], iteration_bounds = array<i64: 2, 16>, scalar_prefetch = 0 : i64, scratch_operands = 16 : i64, tpu.core_type = #tpu.core_type<sc_vector_subcore>, window_params = [{transform_indices = #map}, {transform_indices = #map1}, {transform_indices = #map1}, {transform_indices = #map1}, {transform_indices = #map2}]} {
    %broadcast_in_dim3A = arith.constant 0.000000e+00 : f32
    "tpu.trace_start"() <{level = 10 : i32, message = "acc_zero"}> : () -> ()
    %broadcast_in_dim3A_0 = vector.broadcast %broadcast_in_dim3A : f32 to vector<16xf32>
    %scan3A = arith.constant 0 : i32
    %scan3A_1 = arith.constant 0 : i32
    %scan3A_2 = arith.constant 64 : i32
    %scan3A_3 = arith.addi %scan3A_1, %scan3A_2 : i32
    %scan3A_4 = arith.constant 1 : i32
    scf.for %scan3A_344 = %scan3A_1 to %scan3A_3 step %scan3A_4  : i32 {
      %swap3A_345 = arith.index_cast %scan3A_344 : i32 to index
      %swap3A_346 = arith.constant 0 : index
      %swap3A_347 = tpu.vector_load %arg15[%swap3A_345, %swap3A_346] {strides = array<i32>} : memref<64x128xf32, #tpu.memory_space<vmem>>, vector<1x16xf32>,
      %swap3A_348 = vector.shape_cast %swap3A_347 : vector<1x16xf32> to vector<16xf32>
      %swap3A_349 = vector.shape_cast %broadcast_in_dim3A_0 : vector<16xf32> to vector<1x16xf32>
      tpu.vector_store %arg15[%swap3A_345, %swap3A_346], %swap3A_349 {strides = array<i32>} : memref<64x128xf32, #tpu.memory_space<vmem>>, vector<1x16xf32>,
      %swap3A_350 = arith.index_cast %scan3A_344 : i32 to index
      %swap3A_351 = arith.constant 16 : index
      %swap3A_352 = tpu.vector_load %arg15[%swap3A_350, %swap3A_351] {strides = array<i32>} : memref<64x128xf32, #tpu.memory_space<vmem>>, vector<1x16xf32>,
      %swap3A_353 = vector.shape_cast %swap3A_352 : vector<1x16xf32> to vector<16xf32>
      %swap3A_354 = vector.shape_cast %broadcast_in_dim3A_0 : vector<16xf32> to vector<1x16xf32>
      tpu.vector_store %arg15[%swap3A_350, %swap3A_351], %swap3A_354 {strides = array<i32>} : memref<64x128xf32, #tpu.memory_space<vmem>>, vector<1x16xf32>,
      %swap3A_355 = arith.index_cast %scan3A_344 : i32 to index
      %swap3A_356 = arith.constant 32 : index
      %swap3A_357 = tpu.vector_load %arg15[%swap3A_355, %swap3A_356] {strides = array<i32>} : memref<64x128xf32, #tpu.memory_space<vmem>>, vector<1x16xf32>,
      %swap3A_358 = vector.shape_cast %swap3A_357 : vector<1x16xf32> to vector<16xf32>
      %swap3A_359 = vector.shape_cast %broadcast_in_dim3A_0 : vector<16xf32> to vector<1x16xf32>
      tpu.vector_store %arg15[%swap3A_355, %swap3A_356], %swap3A_359 {strides = array<i32>} : memref<64x128xf32, #tpu.memory_space<vmem>>, vector<1x16xf32>,
      %swap3A_360 = arith.index_cast %scan3A_344 : i32 to index
      %swap3A_361 = arith.constant 48 : index
      %swap3A_362 = tpu.vector_load %arg15[%swap3A_360, %swap3A_361] {strides = array<i32>} : memref<64x128xf32, #tpu.memory_space<vmem>>, vector<1x16xf32>,
      %swap3A_363 = vector.shape_cast %swap3A_362 : vector<1x16xf32> to vector<16xf32>
      %swap3A_364 = vector.shape_cast %broadcast_in_dim3A_0 : vector<16xf32> to vector<1x16xf32>
      tpu.vector_store %arg15[%swap3A_360, %swap3A_361], %swap3A_364 {strides = array<i32>} : memref<64x128xf32, #tpu.memory_space<vmem>>, vector<1x16xf32>,
      %swap3A_365 = arith.index_cast %scan3A_344 : i32 to index
      %swap3A_366 = arith.constant 64 : index
      %swap3A_367 = tpu.vector_load %arg15[%swap3A_365, %swap3A_366] {strides = array<i32>} : memref<64x128xf32, #tpu.memory_space<vmem>>, vector<1x16xf32>,
      %swap3A_368 = vector.shape_cast %swap3A_367 : vector<1x16xf32> to vector<16xf32>
      %swap3A_369 = vector.shape_cast %broadcast_in_dim3A_0 : vector<16xf32> to vector<1x16xf32>
      tpu.vector_store %arg15[%swap3A_365, %swap3A_366], %swap3A_369 {strides = array<i32>} : memref<64x128xf32, #tpu.memory_space<vmem>>, vector<1x16xf32>,
      %swap3A_370 = arith.index_cast %scan3A_344 : i32 to index
      %swap3A_371 = arith.constant 80 : index
      %swap3A_372 = tpu.vector_load %arg15[%swap3A_370, %swap3A_371] {strides = array<i32>} : memref<64x128xf32, #tpu.memory_space<vmem>>, vector<1x16xf32>,
      %swap3A_373 = vector.shape_cast %swap3A_372 : vector<1x16xf32> to vector<16xf32>
      %swap3A_374 = vector.shape_cast %broadcast_in_dim3A_0 : vector<16xf32> to vector<1x16xf32>
      tpu.vector_store %arg15[%swap3A_370, %swap3A_371], %swap3A_374 {strides = array<i32>} : memref<64x128xf32, #tpu.memory_space<vmem>>, vector<1x16xf32>,
      %swap3A_375 = arith.index_cast %scan3A_344 : i32 to index
      %swap3A_376 = arith.constant 96 : index
      %swap3A_377 = tpu.vector_load %arg15[%swap3A_375, %swap3A_376] {strides = array<i32>} : memref<64x128xf32, #tpu.memory_space<vmem>>, vector<1x16xf32>,
      %swap3A_378 = vector.shape_cast %swap3A_377 : vector<1x16xf32> to vector<16xf32>
      %swap3A_379 = vector.shape_cast %broadcast_in_dim3A_0 : vector<16xf32> to vector<1x16xf32>
      tpu.vector_store %arg15[%swap3A_375, %swap3A_376], %swap3A_379 {strides = array<i32>} : memref<64x128xf32, #tpu.memory_space<vmem>>, vector<1x16xf32>,
      %swap3A_380 = arith.index_cast %scan3A_344 : i32 to index
      %swap3A_381 = arith.constant 112 : index
      %swap3A_382 = tpu.vector_load %arg15[%swap3A_380, %swap3A_381] {strides = array<i32>} : memref<64x128xf32, #tpu.memory_space<vmem>>, vector<1x16xf32>,
      %swap3A_383 = vector.shape_cast %swap3A_382 : vector<1x16xf32> to vector<16xf32>
      %swap3A_384 = vector.shape_cast %broadcast_in_dim3A_0 : vector<16xf32> to vector<1x16xf32>
      tpu.vector_store %arg15[%swap3A_380, %swap3A_381], %swap3A_384 {strides = array<i32>} : memref<64x128xf32, #tpu.memory_space<vmem>>, vector<1x16xf32>,
    }
    %scan3A_5 = arith.constant 64 : i32
    %scan3A_6 = arith.constant 0 : i32
    %scan3A_7 = arith.constant 0 : i32
    %scan3A_8 = arith.constant 10 : i32
    %scan3A_9 = arith.addi %scan3A_7, %scan3A_8 : i32
    %scan3A_10 = arith.constant 1 : i32
    scf.for %scan3A_344 = %scan3A_7 to %scan3A_9 step %scan3A_10  : i32 {
      %mul3A_345 = arith.constant 640 : i32
      %mul3A_346 = arith.muli %arg1, %mul3A_345 : i32
      %mul3A_347 = arith.constant 64 : i32
      %mul3A_348 = arith.muli %scan3A_344, %mul3A_347 : i32
      %add3A_349 = arith.addi %mul3A_346, %mul3A_348 : i32
      "tpu.region"() ({
        %run_scoped3A = tpu.sem_alloc : memref<!tpu.dma_semaphore, #tpu.memory_space<semaphore_mem>>
        %dma_start3A_350 = arith.constant 0 : i32
        %dma_start3A_351 = arith.constant 0 : i32
        %dma_start3A_352 = tpu.memref_slice %arg15[%dma_start3A_350, %dma_start3A_351] : memref<64x128xf32, #tpu.memory_space<vmem>> -> memref<64x128xf32, #tpu.memory_space<vmem>>
        %dma_start3A_353 = arith.constant 0 : i32
        %dma_start3A_354 = tpu.memref_slice %arg16[%add3A_349, %dma_start3A_353] : memref<10240x128xf32, #tpu.memory_space<vmem_shared>> -> memref<64x128xf32, #tpu.memory_space<vmem_shared>>
        %dma_start3A_355 = arith.constant 0 : i32
        %dma_start3A_356 = tpu.memref_slice %arg16[%add3A_349, %dma_start3A_355] : memref<10240x128xf32, #tpu.memory_space<vmem_shared>> -> memref<64x128xf32, #tpu.memory_space<vmem_shared>>
        %dma_start3A_357 = arith.constant 0 : i32
        %dma_start3A_358 = arith.constant 0 : i32
        %dma_start3A_359 = tpu.memref_slice %arg15[%dma_start3A_357, %dma_start3A_358] : memref<64x128xf32, #tpu.memory_space<vmem>> -> memref<64x128xf32, #tpu.memory_space<vmem>>
        tpu.enqueue_dma source(%dma_start3A_359 : memref<64x128xf32, #tpu.memory_space<vmem>>) target(%dma_start3A_356 : memref<64x128xf32, #tpu.memory_space<vmem_shared>>) target_semaphore(%run_scoped3A : memref<!tpu.dma_semaphore, #tpu.memory_space<semaphore_mem>>)
        %dma_wait3A_360 = arith.constant 0 : i32
        %dma_wait3A_361 = arith.constant 0 : i32
        %dma_wait3A_362 = tpu.memref_slice %arg15[%dma_wait3A_360, %dma_wait3A_361] : memref<64x128xf32, #tpu.memory_space<vmem>> -> memref<64x128xf32, #tpu.memory_space<vmem>>
        %dma_wait3A_363 = arith.constant 0 : i32
        %dma_wait3A_364 = tpu.memref_slice %arg16[%add3A_349, %dma_wait3A_363] : memref<10240x128xf32, #tpu.memory_space<vmem_shared>> -> memref<64x128xf32, #tpu.memory_space<vmem_shared>>
        %dma_wait3A_365 = arith.constant 0 : i32
        %dma_wait3A_366 = tpu.memref_slice %arg16[%add3A_349, %dma_wait3A_365] : memref<10240x128xf32, #tpu.memory_space<vmem_shared>> -> memref<64x128xf32, #tpu.memory_space<vmem_shared>>
        %dma_wait3A_367 = arith.constant 0 : i32
        %dma_wait3A_368 = arith.constant 0 : i32
        %dma_wait3A_369 = tpu.memref_slice %arg15[%dma_wait3A_367, %dma_wait3A_368] : memref<64x128xf32, #tpu.memory_space<vmem>> -> memref<64x128xf32, #tpu.memory_space<vmem>>
        tpu.wait_dma2 semaphore(%run_scoped3A : memref<!tpu.dma_semaphore, #tpu.memory_space<semaphore_mem>>) src(%dma_wait3A_369 : memref<64x128xf32, #tpu.memory_space<vmem>>) dst(%dma_wait3A_366 : memref<64x128xf32, #tpu.memory_space<vmem_shared>>)
        tpu.yield
      }) : () -> ()
    }
    %scan3A_11 = arith.constant 10 : i32
    %barrier3A = arith.constant 0 : index
    tpu.barrier barrier_id(%barrier3A)
    "tpu.trace_stop"() : () -> ()
    %mul3A = arith.constant 70000 : i32
    %mul3A_12 = arith.muli %arg0, %mul3A : i32
    %broadcast_in_dim3A_13 = vector.broadcast %mul3A_12 : i32 to vector<16xi32>
    %mul3A_14 = arith.constant 80 : i32
    %mul3A_15 = arith.muli %arg1, %mul3A_14 : i32
    "tpu.trace_start"() <{level = 10 : i32, message = "edge_sweep"}> : () -> ()
    %add3A = arith.constant 0 : i32
    %add3A_16 = arith.addi %mul3A_15, %add3A : i32
    %mul3A_17 = arith.constant 128 : i32
    %mul3A_18 = arith.muli %add3A_16, %mul3A_17 : i32
    %dma_start3A = arith.constant 0 : i32
    %dma_start3A_19 = arith.constant 0 : i32
    %dma_start3A_20 = tpu.memref_slice %arg7[%dma_start3A, %dma_start3A_19] : memref<3x128xi32, #tpu.memory_space<vmem>> -> memref<1x128xi32, #tpu.memory_space<vmem>>
    %dma_start3A_21 = tpu.memref_squeeze %dma_start3A_20 : memref<1x128xi32, #tpu.memory_space<vmem>> -> memref<128xi32, #tpu.memory_space<vmem>>
    %dma_start3A_22 = tpu.memref_slice %arg3[%mul3A_18] : memref<163840xi32, #tpu.memory_space<hbm>> -> memref<128xi32, #tpu.memory_space<hbm>>
    %dma_start3A_23 = arith.constant 0 : i32
    %dma_start3A_24 = tpu.memref_slice %arg7[%dma_start3A, %dma_start3A_23] : memref<3x128xi32, #tpu.memory_space<vmem>> -> memref<1x128xi32, #tpu.memory_space<vmem>>
    %dma_start3A_25 = tpu.memref_squeeze %dma_start3A_24 : memref<1x128xi32, #tpu.memory_space<vmem>> -> memref<128xi32, #tpu.memory_space<vmem>>
    %dma_start3A_26 = tpu.memref_slice %arg3[%mul3A_18] : memref<163840xi32, #tpu.memory_space<hbm>> -> memref<128xi32, #tpu.memory_space<hbm>>
    tpu.enqueue_dma source(%dma_start3A_26 : memref<128xi32, #tpu.memory_space<hbm>>) target(%dma_start3A_25 : memref<128xi32, #tpu.memory_space<vmem>>) target_semaphore(%arg17 : memref<!tpu.dma_semaphore, #tpu.memory_space<semaphore_mem>>)
    %dma_start3A_27 = arith.constant 1 : i32
    %dma_start3A_28 = arith.constant 0 : i32
    %dma_start3A_29 = tpu.memref_slice %arg7[%dma_start3A_27, %dma_start3A_28] : memref<3x128xi32, #tpu.memory_space<vmem>> -> memref<1x128xi32, #tpu.memory_space<vmem>>
    %dma_start3A_30 = tpu.memref_squeeze %dma_start3A_29 : memref<1x128xi32, #tpu.memory_space<vmem>> -> memref<128xi32, #tpu.memory_space<vmem>>
    %dma_start3A_31 = tpu.memref_slice %arg4[%mul3A_18] : memref<163840xi32, #tpu.memory_space<hbm>> -> memref<128xi32, #tpu.memory_space<hbm>>
    %dma_start3A_32 = arith.constant 0 : i32
    %dma_start3A_33 = tpu.memref_slice %arg7[%dma_start3A_27, %dma_start3A_32] : memref<3x128xi32, #tpu.memory_space<vmem>> -> memref<1x128xi32, #tpu.memory_space<vmem>>
    %dma_start3A_34 = tpu.memref_squeeze %dma_start3A_33 : memref<1x128xi32, #tpu.memory_space<vmem>> -> memref<128xi32, #tpu.memory_space<vmem>>
    %dma_start3A_35 = tpu.memref_slice %arg4[%mul3A_18] : memref<163840xi32, #tpu.memory_space<hbm>> -> memref<128xi32, #tpu.memory_space<hbm>>
    tpu.enqueue_dma source(%dma_start3A_35 : memref<128xi32, #tpu.memory_space<hbm>>) target(%dma_start3A_34 : memref<128xi32, #tpu.memory_space<vmem>>) target_semaphore(%arg17 : memref<!tpu.dma_semaphore, #tpu.memory_space<semaphore_mem>>)
    %dma_start3A_36 = arith.constant 2 : i32
    %dma_start3A_37 = arith.constant 0 : i32
    %dma_start3A_38 = tpu.memref_slice %arg7[%dma_start3A_36, %dma_start3A_37] : memref<3x128xi32, #tpu.memory_space<vmem>> -> memref<1x128xi32, #tpu.memory_space<vmem>>
    %dma_start3A_39 = tpu.memref_squeeze %dma_start3A_38 : memref<1x128xi32, #tpu.memory_space<vmem>> -> memref<128xi32, #tpu.memory_space<vmem>>
    %dma_start3A_40 = tpu.memref_slice %arg5[%mul3A_18] : memref<163840xi32, #tpu.memory_space<hbm>> -> memref<128xi32, #tpu.memory_space<hbm>>
    %dma_start3A_41 = arith.constant 0 : i32
    %dma_start3A_42 = tpu.memref_slice %arg7[%dma_start3A_36, %dma_start3A_41] : memref<3x128xi32, #tpu.memory_space<vmem>> -> memref<1x128xi32, #tpu.memory_space<vmem>>
    %dma_start3A_43 = tpu.memref_squeeze %dma_start3A_42 : memref<1x128xi32, #tpu.memory_space<vmem>> -> memref<128xi32, #tpu.memory_space<vmem>>
    %dma_start3A_44 = tpu.memref_slice %arg5[%mul3A_18] : memref<163840xi32, #tpu.memory_space<hbm>> -> memref<128xi32, #tpu.memory_space<hbm>>
    tpu.enqueue_dma source(%dma_start3A_44 : memref<128xi32, #tpu.memory_space<hbm>>) target(%dma_start3A_43 : memref<128xi32, #tpu.memory_space<vmem>>) target_semaphore(%arg17 : memref<!tpu.dma_semaphore, #tpu.memory_space<semaphore_mem>>)
    %add3A_45 = arith.constant 1 : i32
    %add3A_46 = arith.addi %mul3A_15, %add3A_45 : i32
    %mul3A_47 = arith.constant 128 : i32
    %mul3A_48 = arith.muli %add3A_46, %mul3A_47 : i32
    %dma_start3A_49 = arith.constant 0 : i32
    %dma_start3A_50 = arith.constant 0 : i32
    %dma_start3A_51 = tpu.memref_slice %arg8[%dma_start3A_49, %dma_start3A_50] : memref<3x128xi32, #tpu.memory_space<vmem>> -> memref<1x128xi32, #tpu.memory_space<vmem>>
    %dma_start3A_52 = tpu.memref_squeeze %dma_start3A_51 : memref<1x128xi32, #tpu.memory_space<vmem>> -> memref<128xi32, #tpu.memory_space<vmem>>
    %dma_start3A_53 = tpu.memref_slice %arg3[%mul3A_48] : memref<163840xi32, #tpu.memory_space<hbm>> -> memref<128xi32, #tpu.memory_space<hbm>>
    %dma_start3A_54 = arith.constant 0 : i32
    %dma_start3A_55 = tpu.memref_slice %arg8[%dma_start3A_49, %dma_start3A_54] : memref<3x128xi32, #tpu.memory_space<vmem>> -> memref<1x128xi32, #tpu.memory_space<vmem>>
    %dma_start3A_56 = tpu.memref_squeeze %dma_start3A_55 : memref<1x128xi32, #tpu.memory_space<vmem>> -> memref<128xi32, #tpu.memory_space<vmem>>
    %dma_start3A_57 = tpu.memref_slice %arg3[%mul3A_48] : memref<163840xi32, #tpu.memory_space<hbm>> -> memref<128xi32, #tpu.memory_space<hbm>>
    tpu.enqueue_dma source(%dma_start3A_57 : memref<128xi32, #tpu.memory_space<hbm>>) target(%dma_start3A_56 : memref<128xi32, #tpu.memory_space<vmem>>) target_semaphore(%arg18 : memref<!tpu.dma_semaphore, #tpu.memory_space<semaphore_mem>>)
    %dma_start3A_58 = arith.constant 1 : i32
    %dma_start3A_59 = arith.constant 0 : i32
    %dma_start3A_60 = tpu.memref_slice %arg8[%dma_start3A_58, %dma_start3A_59] : memref<3x128xi32, #tpu.memory_space<vmem>> -> memref<1x128xi32, #tpu.memory_space<vmem>>
    %dma_start3A_61 = tpu.memref_squeeze %dma_start3A_60 : memref<1x128xi32, #tpu.memory_space<vmem>> -> memref<128xi32, #tpu.memory_space<vmem>>
    %dma_start3A_62 = tpu.memref_slice %arg4[%mul3A_48] : memref<163840xi32, #tpu.memory_space<hbm>> -> memref<128xi32, #tpu.memory_space<hbm>>
    %dma_start3A_63 = arith.constant 0 : i32
    %dma_start3A_64 = tpu.memref_slice %arg8[%dma_start3A_58, %dma_start3A_63] : memref<3x128xi32, #tpu.memory_space<vmem>> -> memref<1x128xi32, #tpu.memory_space<vmem>>
    %dma_start3A_65 = tpu.memref_squeeze %dma_start3A_64 : memref<1x128xi32, #tpu.memory_space<vmem>> -> memref<128xi32, #tpu.memory_space<vmem>>
    %dma_start3A_66 = tpu.memref_slice %arg4[%mul3A_48] : memref<163840xi32, #tpu.memory_space<hbm>> -> memref<128xi32, #tpu.memory_space<hbm>>
    tpu.enqueue_dma source(%dma_start3A_66 : memref<128xi32, #tpu.memory_space<hbm>>) target(%dma_start3A_65 : memref<128xi32, #tpu.memory_space<vmem>>) target_semaphore(%arg18 : memref<!tpu.dma_semaphore, #tpu.memory_space<semaphore_mem>>)
    %dma_start3A_67 = arith.constant 2 : i32
    %dma_start3A_68 = arith.constant 0 : i32
    %dma_start3A_69 = tpu.memref_slice %arg8[%dma_start3A_67, %dma_start3A_68] : memref<3x128xi32, #tpu.memory_space<vmem>> -> memref<1x128xi32, #tpu.memory_space<vmem>>
    %dma_start3A_70 = tpu.memref_squeeze %dma_start3A_69 : memref<1x128xi32, #tpu.memory_space<vmem>> -> memref<128xi32, #tpu.memory_space<vmem>>
    %dma_start3A_71 = tpu.memref_slice %arg5[%mul3A_48] : memref<163840xi32, #tpu.memory_space<hbm>> -> memref<128xi32, #tpu.memory_space<hbm>>
    %dma_start3A_72 = arith.constant 0 : i32
    %dma_start3A_73 = tpu.memref_slice %arg8[%dma_start3A_67, %dma_start3A_72] : memref<3x128xi32, #tpu.memory_space<vmem>> -> memref<1x128xi32, #tpu.memory_space<vmem>>
    %dma_start3A_74 = tpu.memref_squeeze %dma_start3A_73 : memref<1x128xi32, #tpu.memory_space<vmem>> -> memref<128xi32, #tpu.memory_space<vmem>>
    %dma_start3A_75 = tpu.memref_slice %arg5[%mul3A_48] : memref<163840xi32, #tpu.memory_space<hbm>> -> memref<128xi32, #tpu.memory_space<hbm>>
    tpu.enqueue_dma source(%dma_start3A_75 : memref<128xi32, #tpu.memory_space<hbm>>) target(%dma_start3A_74 : memref<128xi32, #tpu.memory_space<vmem>>) target_semaphore(%arg18 : memref<!tpu.dma_semaphore, #tpu.memory_space<semaphore_mem>>)
    %add3A_76 = arith.constant 0 : i32
    %add3A_77 = arith.addi %mul3A_15, %add3A_76 : i32
    %mul3A_78 = arith.constant 128 : i32
    %mul3A_79 = arith.muli %add3A_77, %mul3A_78 : i32
    %dma_wait3A = arith.constant 0 : i32
    %dma_wait3A_80 = arith.constant 0 : i32
    %dma_wait3A_81 = tpu.memref_slice %arg7[%dma_wait3A, %dma_wait3A_80] : memref<3x128xi32, #tpu.memory_space<vmem>> -> memref<1x128xi32, #tpu.memory_space<vmem>>
    %dma_wait3A_82 = tpu.memref_squeeze %dma_wait3A_81 : memref<1x128xi32, #tpu.memory_space<vmem>> -> memref<128xi32, #tpu.memory_space<vmem>>
    %dma_wait3A_83 = tpu.memref_slice %arg3[%mul3A_79] : memref<163840xi32, #tpu.memory_space<hbm>> -> memref<128xi32, #tpu.memory_space<hbm>>
    %dma_wait3A_84 = arith.constant 0 : i32
    %dma_wait3A_85 = tpu.memref_slice %arg7[%dma_wait3A, %dma_wait3A_84] : memref<3x128xi32, #tpu.memory_space<vmem>> -> memref<1x128xi32, #tpu.memory_space<vmem>>
    %dma_wait3A_86 = tpu.memref_squeeze %dma_wait3A_85 : memref<1x128xi32, #tpu.memory_space<vmem>> -> memref<128xi32, #tpu.memory_space<vmem>>
    %dma_wait3A_87 = tpu.memref_slice %arg3[%mul3A_79] : memref<163840xi32, #tpu.memory_space<hbm>> -> memref<128xi32, #tpu.memory_space<hbm>>
    tpu.wait_dma2 semaphore(%arg17 : memref<!tpu.dma_semaphore, #tpu.memory_space<semaphore_mem>>) src(%dma_wait3A_87 : memref<128xi32, #tpu.memory_space<hbm>>) dst(%dma_wait3A_86 : memref<128xi32, #tpu.memory_space<vmem>>)
    %dma_wait3A_88 = arith.constant 1 : i32
    %dma_wait3A_89 = arith.constant 0 : i32
    %dma_wait3A_90 = tpu.memref_slice %arg7[%dma_wait3A_88, %dma_wait3A_89] : memref<3x128xi32, #tpu.memory_space<vmem>> -> memref<1x128xi32, #tpu.memory_space<vmem>>
    %dma_wait3A_91 = tpu.memref_squeeze %dma_wait3A_90 : memref<1x128xi32, #tpu.memory_space<vmem>> -> memref<128xi32, #tpu.memory_space<vmem>>
    %dma_wait3A_92 = tpu.memref_slice %arg4[%mul3A_79] : memref<163840xi32, #tpu.memory_space<hbm>> -> memref<128xi32, #tpu.memory_space<hbm>>
    %dma_wait3A_93 = arith.constant 0 : i32
    %dma_wait3A_94 = tpu.memref_slice %arg7[%dma_wait3A_88, %dma_wait3A_93] : memref<3x128xi32, #tpu.memory_space<vmem>> -> memref<1x128xi32, #tpu.memory_space<vmem>>
    %dma_wait3A_95 = tpu.memref_squeeze %dma_wait3A_94 : memref<1x128xi32, #tpu.memory_space<vmem>> -> memref<128xi32, #tpu.memory_space<vmem>>
    %dma_wait3A_96 = tpu.memref_slice %arg4[%mul3A_79] : memref<163840xi32, #tpu.memory_space<hbm>> -> memref<128xi32, #tpu.memory_space<hbm>>
    tpu.wait_dma2 semaphore(%arg17 : memref<!tpu.dma_semaphore, #tpu.memory_space<semaphore_mem>>) src(%dma_wait3A_96 : memref<128xi32, #tpu.memory_space<hbm>>) dst(%dma_wait3A_95 : memref<128xi32, #tpu.memory_space<vmem>>)
    %dma_wait3A_97 = arith.constant 2 : i32
    %dma_wait3A_98 = arith.constant 0 : i32
    %dma_wait3A_99 = tpu.memref_slice %arg7[%dma_wait3A_97, %dma_wait3A_98] : memref<3x128xi32, #tpu.memory_space<vmem>> -> memref<1x128xi32, #tpu.memory_space<vmem>>
    %dma_wait3A_100 = tpu.memref_squeeze %dma_wait3A_99 : memref<1x128xi32, #tpu.memory_space<vmem>> -> memref<128xi32, #tpu.memory_space<vmem>>
    %dma_wait3A_101 = tpu.memref_slice %arg5[%mul3A_79] : memref<163840xi32, #tpu.memory_space<hbm>> -> memref<128xi32, #tpu.memory_space<hbm>>
    %dma_wait3A_102 = arith.constant 0 : i32
    %dma_wait3A_103 = tpu.memref_slice %arg7[%dma_wait3A_97, %dma_wait3A_102] : memref<3x128xi32, #tpu.memory_space<vmem>> -> memref<1x128xi32, #tpu.memory_space<vmem>>
    %dma_wait3A_104 = tpu.memref_squeeze %dma_wait3A_103 : memref<1x128xi32, #tpu.memory_space<vmem>> -> memref<128xi32, #tpu.memory_space<vmem>>
    %dma_wait3A_105 = tpu.memref_slice %arg5[%mul3A_79] : memref<163840xi32, #tpu.memory_space<hbm>> -> memref<128xi32, #tpu.memory_space<hbm>>
    tpu.wait_dma2 semaphore(%arg17 : memref<!tpu.dma_semaphore, #tpu.memory_space<semaphore_mem>>) src(%dma_wait3A_105 : memref<128xi32, #tpu.memory_space<hbm>>) dst(%dma_wait3A_104 : memref<128xi32, #tpu.memory_space<vmem>>)
    %get3A = arith.constant 1 : i32
    %get3A_106 = arith.index_cast %get3A : i32 to index
    %get3A_107 = arith.constant 0 : index
    %get3A_108 = tpu.vector_load %arg7[%get3A_106, %get3A_107] {strides = array<i32>} : memref<3x128xi32, #tpu.memory_space<vmem>>, vector<1x16xi32>,
    %get3A_109 = vector.shape_cast %get3A_108 : vector<1x16xi32> to vector<16xi32>
    %mul3A_110 = arith.constant 10000 : i32
    %mul3A_111 = vector.broadcast %mul3A_110 : i32 to vector<16xi32>
    %mul3A_112 = arith.muli %get3A_109, %mul3A_111 : vector<16xi32>
    %get3A_113 = arith.constant 0 : i32
    %get3A_114 = arith.index_cast %get3A_113 : i32 to index
    %get3A_115 = arith.constant 0 : index
    %get3A_116 = tpu.vector_load %arg7[%get3A_114, %get3A_115] {strides = array<i32>} : memref<3x128xi32, #tpu.memory_space<vmem>>, vector<1x16xi32>,
    %get3A_117 = vector.shape_cast %get3A_116 : vector<1x16xi32> to vector<16xi32>
    %add3A_118 = arith.addi %mul3A_112, %get3A_117 : vector<16xi32>
    %add3A_119 = arith.addi %add3A_118, %broadcast_in_dim3A_13 : vector<16xi32>
    %swap3A = arith.constant 0 : index
    %swap3A_120 = tpu.vector_load %arg9[%swap3A] {strides = array<i32>} : memref<128xi32, #tpu.memory_space<vmem>>, vector<16xi32>,
    %swap3A_121 = vector.shape_cast %swap3A_120 : vector<16xi32> to vector<16xi32>
    %swap3A_122 = vector.shape_cast %add3A_119 : vector<16xi32> to vector<16xi32>
    tpu.vector_store %arg9[%swap3A], %swap3A_122 {strides = array<i32>} : memref<128xi32, #tpu.memory_space<vmem>>, vector<16xi32>,
    %get3A_123 = arith.constant 2 : i32
    %get3A_124 = arith.index_cast %get3A_123 : i32 to index
    %get3A_125 = arith.constant 0 : index
    %get3A_126 = tpu.vector_load %arg7[%get3A_124, %get3A_125] {strides = array<i32>} : memref<3x128xi32, #tpu.memory_space<vmem>>, vector<1x16xi32>,
    %get3A_127 = vector.shape_cast %get3A_126 : vector<1x16xi32> to vector<16xi32>
    %swap3A_128 = arith.constant 0 : index
    %swap3A_129 = tpu.vector_load %arg11[%swap3A_128] {strides = array<i32>} : memref<128xi32, #tpu.memory_space<vmem>>, vector<16xi32>,
    %swap3A_130 = vector.shape_cast %swap3A_129 : vector<16xi32> to vector<16xi32>
    %swap3A_131 = vector.shape_cast %get3A_127 : vector<16xi32> to vector<16xi32>
    tpu.vector_store %arg11[%swap3A_128], %swap3A_131 {strides = array<i32>} : memref<128xi32, #tpu.memory_space<vmem>>, vector<16xi32>,
    %get3A_132 = arith.constant 1 : i32
    %get3A_133 = arith.index_cast %get3A_132 : i32 to index
    %get3A_134 = arith.constant 16 : index
    %get3A_135 = tpu.vector_load %arg7[%get3A_133, %get3A_134] {strides = array<i32>} : memref<3x128xi32, #tpu.memory_space<vmem>>, vector<1x16xi32>,
    %get3A_136 = vector.shape_cast %get3A_135 : vector<1x16xi32> to vector<16xi32>
    %mul3A_137 = arith.constant 10000 : i32
    %mul3A_138 = vector.broadcast %mul3A_137 : i32 to vector<16xi32>
    %mul3A_139 = arith.muli %get3A_136, %mul3A_138 : vector<16xi32>
    %get3A_140 = arith.constant 0 : i32
    %get3A_141 = arith.index_cast %get3A_140 : i32 to index
    %get3A_142 = arith.constant 16 : index
    %get3A_143 = tpu.vector_load %arg7[%get3A_141, %get3A_142] {strides = array<i32>} : memref<3x128xi32, #tpu.memory_space<vmem>>, vector<1x16xi32>,
    %get3A_144 = vector.shape_cast %get3A_143 : vector<1x16xi32> to vector<16xi32>
    %add3A_145 = arith.addi %mul3A_139, %get3A_144 : vector<16xi32>
    %add3A_146 = arith.addi %add3A_145, %broadcast_in_dim3A_13 : vector<16xi32>
    %swap3A_147 = arith.constant 16 : index
    %swap3A_148 = tpu.vector_load %arg9[%swap3A_147] {strides = array<i32>} : memref<128xi32, #tpu.memory_space<vmem>>, vector<16xi32>,
    %swap3A_149 = vector.shape_cast %swap3A_148 : vector<16xi32> to vector<16xi32>
    %swap3A_150 = vector.shape_cast %add3A_146 : vector<16xi32> to vector<16xi32>
    tpu.vector_store %arg9[%swap3A_147], %swap3A_150 {strides = array<i32>} : memref<128xi32, #tpu.memory_space<vmem>>, vector<16xi32>,
    %get3A_151 = arith.constant 2 : i32
    %get3A_152 = arith.index_cast %get3A_151 : i32 to index
    %get3A_153 = arith.constant 16 : index
    %get3A_154 = tpu.vector_load %arg7[%get3A_152, %get3A_153] {strides = array<i32>} : memref<3x128xi32, #tpu.memory_space<vmem>>, vector<1x16xi32>,
    %get3A_155 = vector.shape_cast %get3A_154 : vector<1x16xi32> to vector<16xi32>
    %swap3A_156 = arith.constant 16 : index
    %swap3A_157 = tpu.vector_load %arg11[%swap3A_156] {strides = array<i32>} : memref<128xi32, #tpu.memory_space<vmem>>, vector<16xi32>,
    %swap3A_158 = vector.shape_cast %swap3A_157 : vector<16xi32> to vector<16xi32>
    %swap3A_159 = vector.shape_cast %get3A_155 : vector<16xi32> to vector<16xi32>
    tpu.vector_store %arg11[%swap3A_156], %swap3A_159 {strides = array<i32>} : memref<128xi32, #tpu.memory_space<vmem>>, vector<16xi32>,
    %get3A_160 = arith.constant 1 : i32
    %get3A_161 = arith.index_cast %get3A_160 : i32 to index
    %get3A_162 = arith.constant 32 : index
    %get3A_163 = tpu.vector_load %arg7[%get3A_161, %get3A_162] {strides = array<i32>} : memref<3x128xi32, #tpu.memory_space<vmem>>, vector<1x16xi32>,
    %get3A_164 = vector.shape_cast %get3A_163 : vector<1x16xi32> to vector<16xi32>
    %mul3A_165 = arith.constant 10000 : i32
    %mul3A_166 = vector.broadcast %mul3A_165 : i32 to vector<16xi32>
    %mul3A_167 = arith.muli %get3A_164, %mul3A_166 : vector<16xi32>
    %get3A_168 = arith.constant 0 : i32
    %get3A_169 = arith.index_cast %get3A_168 : i32 to index
    %get3A_170 = arith.constant 32 : index
    %get3A_171 = tpu.vector_load %arg7[%get3A_169, %get3A_170] {strides = array<i32>} : memref<3x128xi32, #tpu.memory_space<vmem>>, vector<1x16xi32>,
    %get3A_172 = vector.shape_cast %get3A_171 : vector<1x16xi32> to vector<16xi32>
    %add3A_173 = arith.addi %mul3A_167, %get3A_172 : vector<16xi32>
    %add3A_174 = arith.addi %add3A_173, %broadcast_in_dim3A_13 : vector<16xi32>
    %swap3A_175 = arith.constant 32 : index
    %swap3A_176 = tpu.vector_load %arg9[%swap3A_175] {strides = array<i32>} : memref<128xi32, #tpu.memory_space<vmem>>, vector<16xi32>,
    %swap3A_177 = vector.shape_cast %swap3A_176 : vector<16xi32> to vector<16xi32>
    %swap3A_178 = vector.shape_cast %add3A_174 : vector<16xi32> to vector<16xi32>
    tpu.vector_store %arg9[%swap3A_175], %swap3A_178 {strides = array<i32>} : memref<128xi32, #tpu.memory_space<vmem>>, vector<16xi32>,
    %get3A_179 = arith.constant 2 : i32
    %get3A_180 = arith.index_cast %get3A_179 : i32 to index
    %get3A_181 = arith.constant 32 : index
    %get3A_182 = tpu.vector_load %arg7[%get3A_180, %get3A_181] {strides = array<i32>} : memref<3x128xi32, #tpu.memory_space<vmem>>, vector<1x16xi32>,
    %get3A_183 = vector.shape_cast %get3A_182 : vector<1x16xi32> to vector<16xi32>
    %swap3A_184 = arith.constant 32 : index
    %swap3A_185 = tpu.vector_load %arg11[%swap3A_184] {strides = array<i32>} : memref<128xi32, #tpu.memory_space<vmem>>, vector<16xi32>,
    %swap3A_186 = vector.shape_cast %swap3A_185 : vector<16xi32> to vector<16xi32>
    %swap3A_187 = vector.shape_cast %get3A_183 : vector<16xi32> to vector<16xi32>
    tpu.vector_store %arg11[%swap3A_184], %swap3A_187 {strides = array<i32>} : memref<128xi32, #tpu.memory_space<vmem>>, vector<16xi32>,
    %get3A_188 = arith.constant 1 : i32
    %get3A_189 = arith.index_cast %get3A_188 : i32 to index
    %get3A_190 = arith.constant 48 : index
    %get3A_191 = tpu.vector_load %arg7[%get3A_189, %get3A_190] {strides = array<i32>} : memref<3x128xi32, #tpu.memory_space<vmem>>, vector<1x16xi32>,
    %get3A_192 = vector.shape_cast %get3A_191 : vector<1x16xi32> to vector<16xi32>
    %mul3A_193 = arith.constant 10000 : i32
    %mul3A_194 = vector.broadcast %mul3A_193 : i32 to vector<16xi32>
    %mul3A_195 = arith.muli %get3A_192, %mul3A_194 : vector<16xi32>
    %get3A_196 = arith.constant 0 : i32
    %get3A_197 = arith.index_cast %get3A_196 : i32 to index
    %get3A_198 = arith.constant 48 : index
    %get3A_199 = tpu.vector_load %arg7[%get3A_197, %get3A_198] {strides = array<i32>} : memref<3x128xi32, #tpu.memory_space<vmem>>, vector<1x16xi32>,
    %get3A_200 = vector.shape_cast %get3A_199 : vector<1x16xi32> to vector<16xi32>
    %add3A_201 = arith.addi %mul3A_195, %get3A_200 : vector<16xi32>
    %add3A_202 = arith.addi %add3A_201, %broadcast_in_dim3A_13 : vector<16xi32>
    %swap3A_203 = arith.constant 48 : index
    %swap3A_204 = tpu.vector_load %arg9[%swap3A_203] {strides = array<i32>} : memref<128xi32, #tpu.memory_space<vmem>>, vector<16xi32>,
    %swap3A_205 = vector.shape_cast %swap3A_204 : vector<16xi32> to vector<16xi32>
    %swap3A_206 = vector.shape_cast %add3A_202 : vector<16xi32> to vector<16xi32>
    tpu.vector_store %arg9[%swap3A_203], %swap3A_206 {strides = array<i32>} : memref<128xi32, #tpu.memory_space<vmem>>, vector<16xi32>,
    %get3A_207 = arith.constant 2 : i32
    %get3A_208 = arith.index_cast %get3A_207 : i32 to index
    %get3A_209 = arith.constant 48 : index
    %get3A_210 = tpu.vector_load %arg7[%get3A_208, %get3A_209] {strides = array<i32>} : memref<3x128xi32, #tpu.memory_space<vmem>>, vector<1x16xi32>,
    %get3A_211 = vector.shape_cast %get3A_210 : vector<1x16xi32> to vector<16xi32>
    %swap3A_212 = arith.constant 48 : index
    %swap3A_213 = tpu.vector_load %arg11[%swap3A_212] {strides = array<i32>} : memref<128xi32, #tpu.memory_space<vmem>>, vector<16xi32>,
    %swap3A_214 = vector.shape_cast %swap3A_213 : vector<16xi32> to vector<16xi32>
    %swap3A_215 = vector.shape_cast %get3A_211 : vector<16xi32> to vector<16xi32>
    tpu.vector_store %arg11[%swap3A_212], %swap3A_215 {strides = array<i32>} : memref<128xi32, #tpu.memory_space<vmem>>, vector<16xi32>,
    %get3A_216 = arith.constant 1 : i32
    %get3A_217 = arith.index_cast %get3A_216 : i32 to index
    %get3A_218 = arith.constant 64 : index
    %get3A_219 = tpu.vector_load %arg7[%get3A_217, %get3A_218] {strides = array<i32>} : memref<3x128xi32, #tpu.memory_space<vmem>>, vector<1x16xi32>,
    %get3A_220 = vector.shape_cast %get3A_219 : vector<1x16xi32> to vector<16xi32>
    %mul3A_221 = arith.constant 10000 : i32
    %mul3A_222 = vector.broadcast %mul3A_221 : i32 to vector<16xi32>
    %mul3A_223 = arith.muli %get3A_220, %mul3A_222 : vector<16xi32>
    %get3A_224 = arith.constant 0 : i32
    %get3A_225 = arith.index_cast %get3A_224 : i32 to index
    %get3A_226 = arith.constant 64 : index
    %get3A_227 = tpu.vector_load %arg7[%get3A_225, %get3A_226] {strides = array<i32>} : memref<3x128xi32, #tpu.memory_space<vmem>>, vector<1x16xi32>,
    %get3A_228 = vector.shape_cast %get3A_227 : vector<1x16xi32> to vector<16xi32>
    %add3A_229 = arith.addi %mul3A_223, %get3A_228 : vector<16xi32>
    %add3A_230 = arith.addi %add3A_229, %broadcast_in_dim3A_13 : vector<16xi32>
    %swap3A_231 = arith.constant 64 : index
    %swap3A_232 = tpu.vector_load %arg9[%swap3A_231] {strides = array<i32>} : memref<128xi32, #tpu.memory_space<vmem>>, vector<16xi32>,
    %swap3A_233 = vector.shape_cast %swap3A_232 : vector<16xi32> to vector<16xi32>
    %swap3A_234 = vector.shape_cast %add3A_230 : vector<16xi32> to vector<16xi32>
    tpu.vector_store %arg9[%swap3A_231], %swap3A_234 {strides = array<i32>} : memref<128xi32, #tpu.memory_space<vmem>>, vector<16xi32>,
    %get3A_235 = arith.constant 2 : i32
    %get3A_236 = arith.index_cast %get3A_235 : i32 to index
    %get3A_237 = arith.constant 64 : index
    %get3A_238 = tpu.vector_load %arg7[%get3A_236, %get3A_237] {strides = array<i32>} : memref<3x128xi32, #tpu.memory_space<vmem>>, vector<1x16xi32>,
    %get3A_239 = vector.shape_cast %get3A_238 : vector<1x16xi32> to vector<16xi32>
    %swap3A_240 = arith.constant 64 : index
    %swap3A_241 = tpu.vector_load %arg11[%swap3A_240] {strides = array<i32>} : memref<128xi32, #tpu.memory_space<vmem>>, vector<16xi32>,
    %swap3A_242 = vector.shape_cast %swap3A_241 : vector<16xi32> to vector<16xi32>
    %swap3A_243 = vector.shape_cast %get3A_239 : vector<16xi32> to vector<16xi32>
    tpu.vector_store %arg11[%swap3A_240], %swap3A_243 {strides = array<i32>} : memref<128xi32, #tpu.memory_space<vmem>>, vector<16xi32>,
    %get3A_244 = arith.constant 1 : i32
    %get3A_245 = arith.index_cast %get3A_244 : i32 to index
    %get3A_246 = arith.constant 80 : index
    %get3A_247 = tpu.vector_load %arg7[%get3A_245, %get3A_246] {strides = array<i32>} : memref<3x128xi32, #tpu.memory_space<vmem>>, vector<1x16xi32>,
    %get3A_248 = vector.shape_cast %get3A_247 : vector<1x16xi32> to vector<16xi32>
    %mul3A_249 = arith.constant 10000 : i32
    %mul3A_250 = vector.broadcast %mul3A_249 : i32 to vector<16xi32>
    %mul3A_251 = arith.muli %get3A_248, %mul3A_250 : vector<16xi32>
    %get3A_252 = arith.constant 0 : i32
    %get3A_253 = arith.index_cast %get3A_252 : i32 to index
    %get3A_254 = arith.constant 80 : index
    %get3A_255 = tpu.vector_load %arg7[%get3A_253, %get3A_254] {strides = array<i32>} : memref<3x128xi32, #tpu.memory_space<vmem>>, vector<1x16xi32>,
    %get3A_256 = vector.shape_cast %get3A_255 : vector<1x16xi32> to vector<16xi32>
    %add3A_257 = arith.addi %mul3A_251, %get3A_256 : vector<16xi32>
    %add3A_258 = arith.addi %add3A_257, %broadcast_in_dim3A_13 : vector<16xi32>
    %swap3A_259 = arith.constant 80 : index
    %swap3A_260 = tpu.vector_load %arg9[%swap3A_259] {strides = array<i32>} : memref<128xi32, #tpu.memory_space<vmem>>, vector<16xi32>,
    %swap3A_261 = vector.shape_cast %swap3A_260 : vector<16xi32> to vector<16xi32>
    %swap3A_262 = vector.shape_cast %add3A_258 : vector<16xi32> to vector<16xi32>
    tpu.vector_store %arg9[%swap3A_259], %swap3A_262 {strides = array<i32>} : memref<128xi32, #tpu.memory_space<vmem>>, vector<16xi32>,
    %get3A_263 = arith.constant 2 : i32
    %get3A_264 = arith.index_cast %get3A_263 : i32 to index
    %get3A_265 = arith.constant 80 : index
    %get3A_266 = tpu.vector_load %arg7[%get3A_264, %get3A_265] {strides = array<i32>} : memref<3x128xi32, #tpu.memory_space<vmem>>, vector<1x16xi32>,
    %get3A_267 = vector.shape_cast %get3A_266 : vector<1x16xi32> to vector<16xi32>
    %swap3A_268 = arith.constant 80 : index
    %swap3A_269 = tpu.vector_load %arg11[%swap3A_268] {strides = array<i32>} : memref<128xi32, #tpu.memory_space<vmem>>, vector<16xi32>,
    %swap3A_270 = vector.shape_cast %swap3A_269 : vector<16xi32> to vector<16xi32>
    %swap3A_271 = vector.shape_cast %get3A_267 : vector<16xi32> to vector<16xi32>
    tpu.vector_store %arg11[%swap3A_268], %swap3A_271 {strides = array<i32>} : memref<128xi32, #tpu.memory_space<vmem>>, vector<16xi32>,
    %get3A_272 = arith.constant 1 : i32
    %get3A_273 = arith.index_cast %get3A_272 : i32 to index
    %get3A_274 = arith.constant 96 : index
    %get3A_275 = tpu.vector_load %arg7[%get3A_273, %get3A_274] {strides = array<i32>} : memref<3x128xi32, #tpu.memory_space<vmem>>, vector<1x16xi32>,
    %get3A_276 = vector.shape_cast %get3A_275 : vector<1x16xi32> to vector<16xi32>
    %mul3A_277 = arith.constant 10000 : i32
    %mul3A_278 = vector.broadcast %mul3A_277 : i32 to vector<16xi32>
    %mul3A_279 = arith.muli %get3A_276, %mul3A_278 : vector<16xi32>
    %get3A_280 = arith.constant 0 : i32
    %get3A_281 = arith.index_cast %get3A_280 : i32 to index
    %get3A_282 = arith.constant 96 : index
    %get3A_283 = tpu.vector_load %arg7[%get3A_281, %get3A_282] {strides = array<i32>} : memref<3x128xi32, #tpu.memory_space<vmem>>, vector<1x16xi32>,
    %get3A_284 = vector.shape_cast %get3A_283 : vector<1x16xi32> to vector<16xi32>
    %add3A_285 = arith.addi %mul3A_279, %get3A_284 : vector<16xi32>
    %add3A_286 = arith.addi %add3A_285, %broadcast_in_dim3A_13 : vector<16xi32>
    %swap3A_287 = arith.constant 96 : index
    %swap3A_288 = tpu.vector_load %arg9[%swap3A_287] {strides = array<i32>} : memref<128xi32, #tpu.memory_space<vmem>>, vector<16xi32>,
    %swap3A_289 = vector.shape_cast %swap3A_288 : vector<16xi32> to vector<16xi32>
    %swap3A_290 = vector.shape_cast %add3A_286 : vector<16xi32> to vector<16xi32>
    tpu.vector_store %arg9[%swap3A_287], %swap3A_290 {strides = array<i32>} : memref<128xi32, #tpu.memory_space<vmem>>, vector<16xi32>,
    %get3A_291 = arith.constant 2 : i32
    %get3A_292 = arith.index_cast %get3A_291 : i32 to index
    %get3A_293 = arith.constant 96 : index
    %get3A_294 = tpu.vector_load %arg7[%get3A_292, %get3A_293] {strides = array<i32>} : memref<3x128xi32, #tpu.memory_space<vmem>>, vector<1x16xi32>,
    %get3A_295 = vector.shape_cast %get3A_294 : vector<1x16xi32> to vector<16xi32>
    %swap3A_296 = arith.constant 96 : index
    %swap3A_297 = tpu.vector_load %arg11[%swap3A_296] {strides = array<i32>} : memref<128xi32, #tpu.memory_space<vmem>>, vector<16xi32>,
    %swap3A_298 = vector.shape_cast %swap3A_297 : vector<16xi32> to vector<16xi32>
    %swap3A_299 = vector.shape_cast %get3A_295 : vector<16xi32> to vector<16xi32>
    tpu.vector_store %arg11[%swap3A_296], %swap3A_299 {strides = array<i32>} : memref<128xi32, #tpu.memory_space<vmem>>, vector<16xi32>,
    %get3A_300 = arith.constant 1 : i32
    %get3A_301 = arith.index_cast %get3A_300 : i32 to index
    %get3A_302 = arith.constant 112 : index
    %get3A_303 = tpu.vector_load %arg7[%get3A_301, %get3A_302] {strides = array<i32>} : memref<3x128xi32, #tpu.memory_space<vmem>>, vector<1x16xi32>,
    %get3A_304 = vector.shape_cast %get3A_303 : vector<1x16xi32> to vector<16xi32>
    %mul3A_305 = arith.constant 10000 : i32
    %mul3A_306 = vector.broadcast %mul3A_305 : i32 to vector<16xi32>
    %mul3A_307 = arith.muli %get3A_304, %mul3A_306 : vector<16xi32>
    %get3A_308 = arith.constant 0 : i32
    %get3A_309 = arith.index_cast %get3A_308 : i32 to index
    %get3A_310 = arith.constant 112 : index
    %get3A_311 = tpu.vector_load %arg7[%get3A_309, %get3A_310] {strides = array<i32>} : memref<3x128xi32, #tpu.memory_space<vmem>>, vector<1x16xi32>,
    %get3A_312 = vector.shape_cast %get3A_311 : vector<1x16xi32> to vector<16xi32>
    %add3A_313 = arith.addi %mul3A_307, %get3A_312 : vector<16xi32>
    %add3A_314 = arith.addi %add3A_313, %broadcast_in_dim3A_13 : vector<16xi32>
    %swap3A_315 = arith.constant 112 : index
    %swap3A_316 = tpu.vector_load %arg9[%swap3A_315] {strides = array<i32>} : memref<128xi32, #tpu.memory_space<vmem>>, vector<16xi32>,
    %swap3A_317 = vector.shape_cast %swap3A_316 : vector<16xi32> to vector<16xi32>
    %swap3A_318 = vector.shape_cast %add3A_314 : vector<16xi32> to vector<16xi32>
    tpu.vector_store %arg9[%swap3A_315], %swap3A_318 {strides = array<i32>} : memref<128xi32, #tpu.memory_space<vmem>>, vector<16xi32>,
    %get3A_319 = arith.constant 2 : i32
    %get3A_320 = arith.index_cast %get3A_319 : i32 to index
    %get3A_321 = arith.constant 112 : index
    %get3A_322 = tpu.vector_load %arg7[%get3A_320, %get3A_321] {strides = array<i32>} : memref<3x128xi32, #tpu.memory_space<vmem>>, vector<1x16xi32>,
    %get3A_323 = vector.shape_cast %get3A_322 : vector<1x16xi32> to vector<16xi32>
    %swap3A_324 = arith.constant 112 : index
    %swap3A_325 = tpu.vector_load %arg11[%swap3A_324] {strides = array<i32>} : memref<128xi32, #tpu.memory_space<vmem>>, vector<16xi32>,
    %swap3A_326 = vector.shape_cast %swap3A_325 : vector<16xi32> to vector<16xi32>
    %swap3A_327 = vector.shape_cast %get3A_323 : vector<16xi32> to vector<16xi32>
    tpu.vector_store %arg11[%swap3A_324], %swap3A_327 {strides = array<i32>} : memref<128xi32, #tpu.memory_space<vmem>>, vector<16xi32>,
    %dma_start3A_328 = arith.constant 0 : i32
    %dma_start3A_329 = arith.constant 0 : i32
    %dma_start3A_330 = tpu.memref_slice %arg2[%dma_start3A_328, %dma_start3A_329] : memref<140000x128xf32, #tpu.memory_space<hbm>> -> memref<140000x128xf32, #tpu.memory_space<hbm>>
    tpu.enqueue_indirect_dma source(%dma_start3A_330 : memref<140000x128xf32, #tpu.memory_space<hbm>>) target(%arg13 : memref<128x128xf32, #tpu.memory_space<vmem>>) offsets(%arg9 : memref<128xi32, #tpu.memory_space<vmem>>) semaphore(%arg19 : memref<!tpu.dma_semaphore, #tpu.memory_space<semaphore_mem>>)
    %scan3A_331 = arith.constant 0 : i32
    %scan3A_332 = arith.constant 0 : i32
    %scan3A_333 = arith.constant 41 : i32
    %scan3A_334 = arith.addi %scan3A_332, %scan3A_333 : i32
    %scan3A_335 = arith.constant 1 : i32
    scf.for %scan3A_344 = %scan3A_332 to %scan3A_334 step %scan3A_335  : i32 {
      %mul3A_345 = arith.constant 2 : i32
      %mul3A_346 = arith.muli %mul3A_345, %scan3A_344 : i32
      %add3A_347 = arith.constant 0 : i32
      %add3A_348 = arith.addi %mul3A_346, %add3A_347 : i32
      %add3A_349 = arith.constant 1 : i32
      %add3A_350 = arith.addi %add3A_348, %add3A_349 : i32
      %lt3A_351 = arith.constant 80 : i32
      %lt3A_352 = arith.cmpi slt, %add3A_350, %lt3A_351 : i32
      %convert_element_type3A_353 = arith.extui %lt3A_352 : i1 to i32
      %cond3A_354 = arith.constant 0 : i32
      %cond3A_355 = arith.cmpi ne, %convert_element_type3A_353, %cond3A_354 : i32
      scf.if %cond3A_355 {
        %add3A_418 = arith.constant 1 : i32
        %add3A_419 = arith.addi %add3A_348, %add3A_418 : i32
        %add3A_420 = arith.addi %mul3A_15, %add3A_419 : i32
        %mul3A_421 = arith.constant 128 : i32
        %mul3A_422 = arith.muli %add3A_420, %mul3A_421 : i32
        %dma_wait3A_423 = arith.constant 0 : i32
        %dma_wait3A_424 = arith.constant 0 : i32
        %dma_wait3A_425 = tpu.memref_slice %arg8[%dma_wait3A_423, %dma_wait3A_424] : memref<3x128xi32, #tpu.memory_space<vmem>> -> memref<1x128xi32, #tpu.memory_space<vmem>>
        %dma_wait3A_426 = tpu.memref_squeeze %dma_wait3A_425 : memref<1x128xi32, #tpu.memory_space<vmem>> -> memref<128xi32, #tpu.memory_space<vmem>>
        %dma_wait3A_427 = tpu.memref_slice %arg3[%mul3A_422] : memref<163840xi32, #tpu.memory_space<hbm>> -> memref<128xi32, #tpu.memory_space<hbm>>
        %dma_wait3A_428 = arith.constant 0 : i32
        %dma_wait3A_429 = tpu.memref_slice %arg8[%dma_wait3A_423, %dma_wait3A_428] : memref<3x128xi32, #tpu.memory_space<vmem>> -> memref<1x128xi32, #tpu.memory_space<vmem>>
        %dma_wait3A_430 = tpu.memref_squeeze %dma_wait3A_429 : memref<1x128xi32, #tpu.memory_space<vmem>> -> memref<128xi32, #tpu.memory_space<vmem>>
        %dma_wait3A_431 = tpu.memref_slice %arg3[%mul3A_422] : memref<163840xi32, #tpu.memory_space<hbm>> -> memref<128xi32, #tpu.memory_space<hbm>>
        tpu.wait_dma2 semaphore(%arg18 : memref<!tpu.dma_semaphore, #tpu.memory_space<semaphore_mem>>) src(%dma_wait3A_431 : memref<128xi32, #tpu.memory_space<hbm>>) dst(%dma_wait3A_430 : memref<128xi32, #tpu.memory_space<vmem>>)
        %dma_wait3A_432 = arith.constant 1 : i32
        %dma_wait3A_433 = arith.constant 0 : i32
        %dma_wait3A_434 = tpu.memref_slice %arg8[%dma_wait3A_432, %dma_wait3A_433] : memref<3x128xi32, #tpu.memory_space<vmem>> -> memref<1x128xi32, #tpu.memory_space<vmem>>
        %dma_wait3A_435 = tpu.memref_squeeze %dma_wait3A_434 : memref<1x128xi32, #tpu.memory_space<vmem>> -> memref<128xi32, #tpu.memory_space<vmem>>
        %dma_wait3A_436 = tpu.memref_slice %arg4[%mul3A_422] : memref<163840xi32, #tpu.memory_space<hbm>> -> memref<128xi32, #tpu.memory_space<hbm>>
        %dma_wait3A_437 = arith.constant 0 : i32
        %dma_wait3A_438 = tpu.memref_slice %arg8[%dma_wait3A_432, %dma_wait3A_437] : memref<3x128xi32, #tpu.memory_space<vmem>> -> memref<1x128xi32, #tpu.memory_space<vmem>>
        %dma_wait3A_439 = tpu.memref_squeeze %dma_wait3A_438 : memref<1x128xi32, #tpu.memory_space<vmem>> -> memref<128xi32, #tpu.memory_space<vmem>>
        %dma_wait3A_440 = tpu.memref_slice %arg4[%mul3A_422] : memref<163840xi32, #tpu.memory_space<hbm>> -> memref<128xi32, #tpu.memory_space<hbm>>
        tpu.wait_dma2 semaphore(%arg18 : memref<!tpu.dma_semaphore, #tpu.memory_space<semaphore_mem>>) src(%dma_wait3A_440 : memref<128xi32, #tpu.memory_space<hbm>>) dst(%dma_wait3A_439 : memref<128xi32, #tpu.memory_space<vmem>>)
        %dma_wait3A_441 = arith.constant 2 : i32
        %dma_wait3A_442 = arith.constant 0 : i32
        %dma_wait3A_443 = tpu.memref_slice %arg8[%dma_wait3A_441, %dma_wait3A_442] : memref<3x128xi32, #tpu.memory_space<vmem>> -> memref<1x128xi32, #tpu.memory_space<vmem>>
        %dma_wait3A_444 = tpu.memref_squeeze %dma_wait3A_443 : memref<1x128xi32, #tpu.memory_space<vmem>> -> memref<128xi32, #tpu.memory_space<vmem>>
        %dma_wait3A_445 = tpu.memref_slice %arg5[%mul3A_422] : memref<163840xi32, #tpu.memory_space<hbm>> -> memref<128xi32, #tpu.memory_space<hbm>>
        %dma_wait3A_446 = arith.constant 0 : i32
        %dma_wait3A_447 = tpu.memref_slice %arg8[%dma_wait3A_441, %dma_wait3A_446] : memref<3x128xi32, #tpu.memory_space<vmem>> -> memref<1x128xi32, #tpu.memory_space<vmem>>
        %dma_wait3A_448 = tpu.memref_squeeze %dma_wait3A_447 : memref<1x128xi32, #tpu.memory_space<vmem>> -> memref<128xi32, #tpu.memory_space<vmem>>
        %dma_wait3A_449 = tpu.memref_slice %arg5[%mul3A_422] : memref<163840xi32, #tpu.memory_space<hbm>> -> memref<128xi32, #tpu.memory_space<hbm>>
        tpu.wait_dma2 semaphore(%arg18 : memref<!tpu.dma_semaphore, #tpu.memory_space<semaphore_mem>>) src(%dma_wait3A_449 : memref<128xi32, #tpu.memory_space<hbm>>) dst(%dma_wait3A_448 : memref<128xi32, #tpu.memory_space<vmem>>)
      } else {
      }
      %gt3A = arith.constant 0 : i32
      %gt3A_356 = arith.cmpi sgt, %add3A_348, %gt3A : i32
      %le3A = arith.constant 80 : i32
      %le3A_357 = arith.cmpi sle, %add3A_348, %le3A : i32
      %and3A = arith.andi %gt3A_356, %le3A_357 : i1
      %convert_element_type3A_358 = arith.extui %and3A : i1 to i32
      %cond3A_359 = arith.constant 0 : i32
      %cond3A_360 = arith.cmpi ne, %convert_element_type3A_358, %cond3A_359 : i32
      scf.if %cond3A_360 {
        %dma_wait3A_418 = arith.constant 0 : i32
        %dma_wait3A_419 = arith.constant 0 : i32
        %dma_wait3A_420 = tpu.memref_slice %arg16[%dma_wait3A_418, %dma_wait3A_419] : memref<10240x128xf32, #tpu.memory_space<vmem_shared>> -> memref<10240x128xf32, #tpu.memory_space<vmem_shared>>
        tpu.wait_indirect_dma semaphore(%arg22 : memref<!tpu.dma_semaphore, #tpu.memory_space<semaphore_mem>>) src(%arg14 : memref<128x128xf32, #tpu.memory_space<vmem>>) dst(%dma_wait3A_420 : memref<10240x128xf32, #tpu.memory_space<vmem_shared>>)
      } else {
      }
      %add3A_361 = arith.constant 1 : i32
      %add3A_362 = arith.addi %add3A_348, %add3A_361 : i32
      %lt3A_363 = arith.constant 80 : i32
      %lt3A_364 = arith.cmpi slt, %add3A_362, %lt3A_363 : i32
      %convert_element_type3A_365 = arith.extui %lt3A_364 : i1 to i32
      %cond3A_366 = arith.constant 0 : i32
      %cond3A_367 = arith.cmpi ne, %convert_element_type3A_365, %cond3A_366 : i32
      scf.if %cond3A_367 {
        %get3A_418 = arith.constant 1 : i32
        %get3A_419 = arith.index_cast %get3A_418 : i32 to index
        %get3A_420 = arith.constant 0 : index
        %get3A_421 = tpu.vector_load %arg8[%get3A_419, %get3A_420] {strides = array<i32>} : memref<3x128xi32, #tpu.memory_space<vmem>>, vector<1x16xi32>,
        %get3A_422 = vector.shape_cast %get3A_421 : vector<1x16xi32> to vector<16xi32>
        %mul3A_423 = arith.constant 10000 : i32
        %mul3A_424 = vector.broadcast %mul3A_423 : i32 to vector<16xi32>
        %mul3A_425 = arith.muli %get3A_422, %mul3A_424 : vector<16xi32>
        %get3A_426 = arith.constant 0 : i32
        %get3A_427 = arith.index_cast %get3A_426 : i32 to index
        %get3A_428 = arith.constant 0 : index
        %get3A_429 = tpu.vector_load %arg8[%get3A_427, %get3A_428] {strides = array<i32>} : memref<3x128xi32, #tpu.memory_space<vmem>>, vector<1x16xi32>,
        %get3A_430 = vector.shape_cast %get3A_429 : vector<1x16xi32> to vector<16xi32>
        %add3A_431 = arith.addi %mul3A_425, %get3A_430 : vector<16xi32>
        %add3A_432 = arith.addi %add3A_431, %broadcast_in_dim3A_13 : vector<16xi32>
        %swap3A_433 = arith.constant 0 : index
        %swap3A_434 = tpu.vector_load %arg10[%swap3A_433] {strides = array<i32>} : memref<128xi32, #tpu.memory_space<vmem>>, vector<16xi32>,
        %swap3A_435 = vector.shape_cast %swap3A_434 : vector<16xi32> to vector<16xi32>
        %swap3A_436 = vector.shape_cast %add3A_432 : vector<16xi32> to vector<16xi32>
        tpu.vector_store %arg10[%swap3A_433], %swap3A_436 {strides = array<i32>} : memref<128xi32, #tpu.memory_space<vmem>>, vector<16xi32>,
        %get3A_437 = arith.constant 2 : i32
        %get3A_438 = arith.index_cast %get3A_437 : i32 to index
        %get3A_439 = arith.constant 0 : index
        %get3A_440 = tpu.vector_load %arg8[%get3A_438, %get3A_439] {strides = array<i32>} : memref<3x128xi32, #tpu.memory_space<vmem>>, vector<1x16xi32>,
        %get3A_441 = vector.shape_cast %get3A_440 : vector<1x16xi32> to vector<16xi32>
        %swap3A_442 = arith.constant 0 : index
        %swap3A_443 = tpu.vector_load %arg12[%swap3A_442] {strides = array<i32>} : memref<128xi32, #tpu.memory_space<vmem>>, vector<16xi32>,
        %swap3A_444 = vector.shape_cast %swap3A_443 : vector<16xi32> to vector<16xi32>
        %swap3A_445 = vector.shape_cast %get3A_441 : vector<16xi32> to vector<16xi32>
        tpu.vector_store %arg12[%swap3A_442], %swap3A_445 {strides = array<i32>} : memref<128xi32, #tpu.memory_space<vmem>>, vector<16xi32>,
        %get3A_446 = arith.constant 1 : i32
        %get3A_447 = arith.index_cast %get3A_446 : i32 to index
        %get3A_448 = arith.constant 16 : index
        %get3A_449 = tpu.vector_load %arg8[%get3A_447, %get3A_448] {strides = array<i32>} : memref<3x128xi32, #tpu.memory_space<vmem>>, vector<1x16xi32>,
        %get3A_450 = vector.shape_cast %get3A_449 : vector<1x16xi32> to vector<16xi32>
        %mul3A_451 = arith.constant 10000 : i32
        %mul3A_452 = vector.broadcast %mul3A_451 : i32 to vector<16xi32>
        %mul3A_453 = arith.muli %get3A_450, %mul3A_452 : vector<16xi32>
        %get3A_454 = arith.constant 0 : i32
        %get3A_455 = arith.index_cast %get3A_454 : i32 to index
        %get3A_456 = arith.constant 16 : index
        %get3A_457 = tpu.vector_load %arg8[%get3A_455, %get3A_456] {strides = array<i32>} : memref<3x128xi32, #tpu.memory_space<vmem>>, vector<1x16xi32>,
        %get3A_458 = vector.shape_cast %get3A_457 : vector<1x16xi32> to vector<16xi32>
        %add3A_459 = arith.addi %mul3A_453, %get3A_458 : vector<16xi32>
        %add3A_460 = arith.addi %add3A_459, %broadcast_in_dim3A_13 : vector<16xi32>
        %swap3A_461 = arith.constant 16 : index
        %swap3A_462 = tpu.vector_load %arg10[%swap3A_461] {strides = array<i32>} : memref<128xi32, #tpu.memory_space<vmem>>, vector<16xi32>,
        %swap3A_463 = vector.shape_cast %swap3A_462 : vector<16xi32> to vector<16xi32>
        %swap3A_464 = vector.shape_cast %add3A_460 : vector<16xi32> to vector<16xi32>
        tpu.vector_store %arg10[%swap3A_461], %swap3A_464 {strides = array<i32>} : memref<128xi32, #tpu.memory_space<vmem>>, vector<16xi32>,
        %get3A_465 = arith.constant 2 : i32
        %get3A_466 = arith.index_cast %get3A_465 : i32 to index
        %get3A_467 = arith.constant 16 : index
        %get3A_468 = tpu.vector_load %arg8[%get3A_466, %get3A_467] {strides = array<i32>} : memref<3x128xi32, #tpu.memory_space<vmem>>, vector<1x16xi32>,
        %get3A_469 = vector.shape_cast %get3A_468 : vector<1x16xi32> to vector<16xi32>
        %swap3A_470 = arith.constant 16 : index
        %swap3A_471 = tpu.vector_load %arg12[%swap3A_470] {strides = array<i32>} : memref<128xi32, #tpu.memory_space<vmem>>, vector<16xi32>,
        %swap3A_472 = vector.shape_cast %swap3A_471 : vector<16xi32> to vector<16xi32>
        %swap3A_473 = vector.shape_cast %get3A_469 : vector<16xi32> to vector<16xi32>
        tpu.vector_store %arg12[%swap3A_470], %swap3A_473 {strides = array<i32>} : memref<128xi32, #tpu.memory_space<vmem>>, vector<16xi32>,
        %get3A_474 = arith.constant 1 : i32
        %get3A_475 = arith.index_cast %get3A_474 : i32 to index
        %get3A_476 = arith.constant 32 : index
        %get3A_477 = tpu.vector_load %arg8[%get3A_475, %get3A_476] {strides = array<i32>} : memref<3x128xi32, #tpu.memory_space<vmem>>, vector<1x16xi32>,
        %get3A_478 = vector.shape_cast %get3A_477 : vector<1x16xi32> to vector<16xi32>
        %mul3A_479 = arith.constant 10000 : i32
        %mul3A_480 = vector.broadcast %mul3A_479 : i32 to vector<16xi32>
        %mul3A_481 = arith.muli %get3A_478, %mul3A_480 : vector<16xi32>
        %get3A_482 = arith.constant 0 : i32
        %get3A_483 = arith.index_cast %get3A_482 : i32 to index
        %get3A_484 = arith.constant 32 : index
        %get3A_485 = tpu.vector_load %arg8[%get3A_483, %get3A_484] {strides = array<i32>} : memref<3x128xi32, #tpu.memory_space<vmem>>, vector<1x16xi32>,
        %get3A_486 = vector.shape_cast %get3A_485 : vector<1x16xi32> to vector<16xi32>
        %add3A_487 = arith.addi %mul3A_481, %get3A_486 : vector<16xi32>
        %add3A_488 = arith.addi %add3A_487, %broadcast_in_dim3A_13 : vector<16xi32>
        %swap3A_489 = arith.constant 32 : index
        %swap3A_490 = tpu.vector_load %arg10[%swap3A_489] {strides = array<i32>} : memref<128xi32, #tpu.memory_space<vmem>>, vector<16xi32>,
        %swap3A_491 = vector.shape_cast %swap3A_490 : vector<16xi32> to vector<16xi32>
        %swap3A_492 = vector.shape_cast %add3A_488 : vector<16xi32> to vector<16xi32>
        tpu.vector_store %arg10[%swap3A_489], %swap3A_492 {strides = array<i32>} : memref<128xi32, #tpu.memory_space<vmem>>, vector<16xi32>,
        %get3A_493 = arith.constant 2 : i32
        %get3A_494 = arith.index_cast %get3A_493 : i32 to index
        %get3A_495 = arith.constant 32 : index
        %get3A_496 = tpu.vector_load %arg8[%get3A_494, %get3A_495] {strides = array<i32>} : memref<3x128xi32, #tpu.memory_space<vmem>>, vector<1x16xi32>,
        %get3A_497 = vector.shape_cast %get3A_496 : vector<1x16xi32> to vector<16xi32>
        %swap3A_498 = arith.constant 32 : index
        %swap3A_499 = tpu.vector_load %arg12[%swap3A_498] {strides = array<i32>} : memref<128xi32, #tpu.memory_space<vmem>>, vector<16xi32>,
        %swap3A_500 = vector.shape_cast %swap3A_499 : vector<16xi32> to vector<16xi32>
        %swap3A_501 = vector.shape_cast %get3A_497 : vector<16xi32> to vector<16xi32>
        tpu.vector_store %arg12[%swap3A_498], %swap3A_501 {strides = array<i32>} : memref<128xi32, #tpu.memory_space<vmem>>, vector<16xi32>,
        %get3A_502 = arith.constant 1 : i32
        %get3A_503 = arith.index_cast %get3A_502 : i32 to index
        %get3A_504 = arith.constant 48 : index
        %get3A_505 = tpu.vector_load %arg8[%get3A_503, %get3A_504] {strides = array<i32>} : memref<3x128xi32, #tpu.memory_space<vmem>>, vector<1x16xi32>,
        %get3A_506 = vector.shape_cast %get3A_505 : vector<1x16xi32> to vector<16xi32>
        %mul3A_507 = arith.constant 10000 : i32
        %mul3A_508 = vector.broadcast %mul3A_507 : i32 to vector<16xi32>
        %mul3A_509 = arith.muli %get3A_506, %mul3A_508 : vector<16xi32>
        %get3A_510 = arith.constant 0 : i32
        %get3A_511 = arith.index_cast %get3A_510 : i32 to index
        %get3A_512 = arith.constant 48 : index
        %get3A_513 = tpu.vector_load %arg8[%get3A_511, %get3A_512] {strides = array<i32>} : memref<3x128xi32, #tpu.memory_space<vmem>>, vector<1x16xi32>,
        %get3A_514 = vector.shape_cast %get3A_513 : vector<1x16xi32> to vector<16xi32>
        %add3A_515 = arith.addi %mul3A_509, %get3A_514 : vector<16xi32>
        %add3A_516 = arith.addi %add3A_515, %broadcast_in_dim3A_13 : vector<16xi32>
        %swap3A_517 = arith.constant 48 : index
        %swap3A_518 = tpu.vector_load %arg10[%swap3A_517] {strides = array<i32>} : memref<128xi32, #tpu.memory_space<vmem>>, vector<16xi32>,
        %swap3A_519 = vector.shape_cast %swap3A_518 : vector<16xi32> to vector<16xi32>
        %swap3A_520 = vector.shape_cast %add3A_516 : vector<16xi32> to vector<16xi32>
        tpu.vector_store %arg10[%swap3A_517], %swap3A_520 {strides = array<i32>} : memref<128xi32, #tpu.memory_space<vmem>>, vector<16xi32>,
        %get3A_521 = arith.constant 2 : i32
        %get3A_522 = arith.index_cast %get3A_521 : i32 to index
        %get3A_523 = arith.constant 48 : index
        %get3A_524 = tpu.vector_load %arg8[%get3A_522, %get3A_523] {strides = array<i32>} : memref<3x128xi32, #tpu.memory_space<vmem>>, vector<1x16xi32>,
        %get3A_525 = vector.shape_cast %get3A_524 : vector<1x16xi32> to vector<16xi32>
        %swap3A_526 = arith.constant 48 : index
        %swap3A_527 = tpu.vector_load %arg12[%swap3A_526] {strides = array<i32>} : memref<128xi32, #tpu.memory_space<vmem>>, vector<16xi32>,
        %swap3A_528 = vector.shape_cast %swap3A_527 : vector<16xi32> to vector<16xi32>
        %swap3A_529 = vector.shape_cast %get3A_525 : vector<16xi32> to vector<16xi32>
        tpu.vector_store %arg12[%swap3A_526], %swap3A_529 {strides = array<i32>} : memref<128xi32, #tpu.memory_space<vmem>>, vector<16xi32>,
        %get3A_530 = arith.constant 1 : i32
        %get3A_531 = arith.index_cast %get3A_530 : i32 to index
        %get3A_532 = arith.constant 64 : index
        %get3A_533 = tpu.vector_load %arg8[%get3A_531, %get3A_532] {strides = array<i32>} : memref<3x128xi32, #tpu.memory_space<vmem>>, vector<1x16xi32>,
        %get3A_534 = vector.shape_cast %get3A_533 : vector<1x16xi32> to vector<16xi32>
        %mul3A_535 = arith.constant 10000 : i32
        %mul3A_536 = vector.broadcast %mul3A_535 : i32 to vector<16xi32>
        %mul3A_537 = arith.muli %get3A_534, %mul3A_536 : vector<16xi32>
        %get3A_538 = arith.constant 0 : i32
        %get3A_539 = arith.index_cast %get3A_538 : i32 to index
        %get3A_540 = arith.constant 64 : index
        %get3A_541 = tpu.vector_load %arg8[%get3A_539, %get3A_540] {strides = array<i32>} : memref<3x128xi32, #tpu.memory_space<vmem>>, vector<1x16xi32>,
        %get3A_542 = vector.shape_cast %get3A_541 : vector<1x16xi32> to vector<16xi32>
        %add3A_543 = arith.addi %mul3A_537, %get3A_542 : vector<16xi32>
        %add3A_544 = arith.addi %add3A_543, %broadcast_in_dim3A_13 : vector<16xi32>
        %swap3A_545 = arith.constant 64 : index
        %swap3A_546 = tpu.vector_load %arg10[%swap3A_545] {strides = array<i32>} : memref<128xi32, #tpu.memory_space<vmem>>, vector<16xi32>,
        %swap3A_547 = vector.shape_cast %swap3A_546 : vector<16xi32> to vector<16xi32>
        %swap3A_548 = vector.shape_cast %add3A_544 : vector<16xi32> to vector<16xi32>
        tpu.vector_store %arg10[%swap3A_545], %swap3A_548 {strides = array<i32>} : memref<128xi32, #tpu.memory_space<vmem>>, vector<16xi32>,
        %get3A_549 = arith.constant 2 : i32
        %get3A_550 = arith.index_cast %get3A_549 : i32 to index
        %get3A_551 = arith.constant 64 : index
        %get3A_552 = tpu.vector_load %arg8[%get3A_550, %get3A_551] {strides = array<i32>} : memref<3x128xi32, #tpu.memory_space<vmem>>, vector<1x16xi32>,
        %get3A_553 = vector.shape_cast %get3A_552 : vector<1x16xi32> to vector<16xi32>
        %swap3A_554 = arith.constant 64 : index
        %swap3A_555 = tpu.vector_load %arg12[%swap3A_554] {strides = array<i32>} : memref<128xi32, #tpu.memory_space<vmem>>, vector<16xi32>,
        %swap3A_556 = vector.shape_cast %swap3A_555 : vector<16xi32> to vector<16xi32>
        %swap3A_557 = vector.shape_cast %get3A_553 : vector<16xi32> to vector<16xi32>
        tpu.vector_store %arg12[%swap3A_554], %swap3A_557 {strides = array<i32>} : memref<128xi32, #tpu.memory_space<vmem>>, vector<16xi32>,
        %get3A_558 = arith.constant 1 : i32
        %get3A_559 = arith.index_cast %get3A_558 : i32 to index
        %get3A_560 = arith.constant 80 : index
        %get3A_561 = tpu.vector_load %arg8[%get3A_559, %get3A_560] {strides = array<i32>} : memref<3x128xi32, #tpu.memory_space<vmem>>, vector<1x16xi32>,
        %get3A_562 = vector.shape_cast %get3A_561 : vector<1x16xi32> to vector<16xi32>
        %mul3A_563 = arith.constant 10000 : i32
        %mul3A_564 = vector.broadcast %mul3A_563 : i32 to vector<16xi32>
        %mul3A_565 = arith.muli %get3A_562, %mul3A_564 : vector<16xi32>
        %get3A_566 = arith.constant 0 : i32
        %get3A_567 = arith.index_cast %get3A_566 : i32 to index
        %get3A_568 = arith.constant 80 : index
        %get3A_569 = tpu.vector_load %arg8[%get3A_567, %get3A_568] {strides = array<i32>} : memref<3x128xi32, #tpu.memory_space<vmem>>, vector<1x16xi32>,
        %get3A_570 = vector.shape_cast %get3A_569 : vector<1x16xi32> to vector<16xi32>
        %add3A_571 = arith.addi %mul3A_565, %get3A_570 : vector<16xi32>
        %add3A_572 = arith.addi %add3A_571, %broadcast_in_dim3A_13 : vector<16xi32>
        %swap3A_573 = arith.constant 80 : index
        %swap3A_574 = tpu.vector_load %arg10[%swap3A_573] {strides = array<i32>} : memref<128xi32, #tpu.memory_space<vmem>>, vector<16xi32>,
        %swap3A_575 = vector.shape_cast %swap3A_574 : vector<16xi32> to vector<16xi32>
        %swap3A_576 = vector.shape_cast %add3A_572 : vector<16xi32> to vector<16xi32>
        tpu.vector_store %arg10[%swap3A_573], %swap3A_576 {strides = array<i32>} : memref<128xi32, #tpu.memory_space<vmem>>, vector<16xi32>,
        %get3A_577 = arith.constant 2 : i32
        %get3A_578 = arith.index_cast %get3A_577 : i32 to index
        %get3A_579 = arith.constant 80 : index
        %get3A_580 = tpu.vector_load %arg8[%get3A_578, %get3A_579] {strides = array<i32>} : memref<3x128xi32, #tpu.memory_space<vmem>>, vector<1x16xi32>,
        %get3A_581 = vector.shape_cast %get3A_580 : vector<1x16xi32> to vector<16xi32>
        %swap3A_582 = arith.constant 80 : index
        %swap3A_583 = tpu.vector_load %arg12[%swap3A_582] {strides = array<i32>} : memref<128xi32, #tpu.memory_space<vmem>>, vector<16xi32>,
        %swap3A_584 = vector.shape_cast %swap3A_583 : vector<16xi32> to vector<16xi32>
        %swap3A_585 = vector.shape_cast %get3A_581 : vector<16xi32> to vector<16xi32>
        tpu.vector_store %arg12[%swap3A_582], %swap3A_585 {strides = array<i32>} : memref<128xi32, #tpu.memory_space<vmem>>, vector<16xi32>,
        %get3A_586 = arith.constant 1 : i32
        %get3A_587 = arith.index_cast %get3A_586 : i32 to index
        %get3A_588 = arith.constant 96 : index
        %get3A_589 = tpu.vector_load %arg8[%get3A_587, %get3A_588] {strides = array<i32>} : memref<3x128xi32, #tpu.memory_space<vmem>>, vector<1x16xi32>,
        %get3A_590 = vector.shape_cast %get3A_589 : vector<1x16xi32> to vector<16xi32>
        %mul3A_591 = arith.constant 10000 : i32
        %mul3A_592 = vector.broadcast %mul3A_591 : i32 to vector<16xi32>
        %mul3A_593 = arith.muli %get3A_590, %mul3A_592 : vector<16xi32>
        %get3A_594 = arith.constant 0 : i32
        %get3A_595 = arith.index_cast %get3A_594 : i32 to index
        %get3A_596 = arith.constant 96 : index
        %get3A_597 = tpu.vector_load %arg8[%get3A_595, %get3A_596] {strides = array<i32>} : memref<3x128xi32, #tpu.memory_space<vmem>>, vector<1x16xi32>,
        %get3A_598 = vector.shape_cast %get3A_597 : vector<1x16xi32> to vector<16xi32>
        %add3A_599 = arith.addi %mul3A_593, %get3A_598 : vector<16xi32>
        %add3A_600 = arith.addi %add3A_599, %broadcast_in_dim3A_13 : vector<16xi32>
        %swap3A_601 = arith.constant 96 : index
        %swap3A_602 = tpu.vector_load %arg10[%swap3A_601] {strides = array<i32>} : memref<128xi32, #tpu.memory_space<vmem>>, vector<16xi32>,
        %swap3A_603 = vector.shape_cast %swap3A_602 : vector<16xi32> to vector<16xi32>
        %swap3A_604 = vector.shape_cast %add3A_600 : vector<16xi32> to vector<16xi32>
        tpu.vector_store %arg10[%swap3A_601], %swap3A_604 {strides = array<i32>} : memref<128xi32, #tpu.memory_space<vmem>>, vector<16xi32>,
        %get3A_605 = arith.constant 2 : i32
        %get3A_606 = arith.index_cast %get3A_605 : i32 to index
        %get3A_607 = arith.constant 96 : index
        %get3A_608 = tpu.vector_load %arg8[%get3A_606, %get3A_607] {strides = array<i32>} : memref<3x128xi32, #tpu.memory_space<vmem>>, vector<1x16xi32>,
        %get3A_609 = vector.shape_cast %get3A_608 : vector<1x16xi32> to vector<16xi32>
        %swap3A_610 = arith.constant 96 : index
        %swap3A_611 = tpu.vector_load %arg12[%swap3A_610] {strides = array<i32>} : memref<128xi32, #tpu.memory_space<vmem>>, vector<16xi32>,
        %swap3A_612 = vector.shape_cast %swap3A_611 : vector<16xi32> to vector<16xi32>
        %swap3A_613 = vector.shape_cast %get3A_609 : vector<16xi32> to vector<16xi32>
        tpu.vector_store %arg12[%swap3A_610], %swap3A_613 {strides = array<i32>} : memref<128xi32, #tpu.memory_space<vmem>>, vector<16xi32>,
        %get3A_614 = arith.constant 1 : i32
        %get3A_615 = arith.index_cast %get3A_614 : i32 to index
        %get3A_616 = arith.constant 112 : index
        %get3A_617 = tpu.vector_load %arg8[%get3A_615, %get3A_616] {strides = array<i32>} : memref<3x128xi32, #tpu.memory_space<vmem>>, vector<1x16xi32>,
        %get3A_618 = vector.shape_cast %get3A_617 : vector<1x16xi32> to vector<16xi32>
        %mul3A_619 = arith.constant 10000 : i32
        %mul3A_620 = vector.broadcast %mul3A_619 : i32 to vector<16xi32>
        %mul3A_621 = arith.muli %get3A_618, %mul3A_620 : vector<16xi32>
        %get3A_622 = arith.constant 0 : i32
        %get3A_623 = arith.index_cast %get3A_622 : i32 to index
        %get3A_624 = arith.constant 112 : index
        %get3A_625 = tpu.vector_load %arg8[%get3A_623, %get3A_624] {strides = array<i32>} : memref<3x128xi32, #tpu.memory_space<vmem>>, vector<1x16xi32>,
        %get3A_626 = vector.shape_cast %get3A_625 : vector<1x16xi32> to vector<16xi32>
        %add3A_627 = arith.addi %mul3A_621, %get3A_626 : vector<16xi32>
        %add3A_628 = arith.addi %add3A_627, %broadcast_in_dim3A_13 : vector<16xi32>
        %swap3A_629 = arith.constant 112 : index
        %swap3A_630 = tpu.vector_load %arg10[%swap3A_629] {strides = array<i32>} : memref<128xi32, #tpu.memory_space<vmem>>, vector<16xi32>,
        %swap3A_631 = vector.shape_cast %swap3A_630 : vector<16xi32> to vector<16xi32>
        %swap3A_632 = vector.shape_cast %add3A_628 : vector<16xi32> to vector<16xi32>
        tpu.vector_store %arg10[%swap3A_629], %swap3A_632 {strides = array<i32>} : memref<128xi32, #tpu.memory_space<vmem>>, vector<16xi32>,
        %get3A_633 = arith.constant 2 : i32
        %get3A_634 = arith.index_cast %get3A_633 : i32 to index
        %get3A_635 = arith.constant 112 : index
        %get3A_636 = tpu.vector_load %arg8[%get3A_634, %get3A_635] {strides = array<i32>} : memref<3x128xi32, #tpu.memory_space<vmem>>, vector<1x16xi32>,
        %get3A_637 = vector.shape_cast %get3A_636 : vector<1x16xi32> to vector<16xi32>
        %swap3A_638 = arith.constant 112 : index
        %swap3A_639 = tpu.vector_load %arg12[%swap3A_638] {strides = array<i32>} : memref<128xi32, #tpu.memory_space<vmem>>, vector<16xi32>,
        %swap3A_640 = vector.shape_cast %swap3A_639 : vector<16xi32> to vector<16xi32>
        %swap3A_641 = vector.shape_cast %get3A_637 : vector<16xi32> to vector<16xi32>
        tpu.vector_store %arg12[%swap3A_638], %swap3A_641 {strides = array<i32>} : memref<128xi32, #tpu.memory_space<vmem>>, vector<16xi32>,
        %dma_start3A_642 = arith.constant 0 : i32
        %dma_start3A_643 = arith.constant 0 : i32
        %dma_start3A_644 = tpu.memref_slice %arg2[%dma_start3A_642, %dma_start3A_643] : memref<140000x128xf32, #tpu.memory_space<hbm>> -> memref<140000x128xf32, #tpu.memory_space<hbm>>
        tpu.enqueue_indirect_dma source(%dma_start3A_644 : memref<140000x128xf32, #tpu.memory_space<hbm>>) target(%arg14 : memref<128x128xf32, #tpu.memory_space<vmem>>) offsets(%arg10 : memref<128xi32, #tpu.memory_space<vmem>>) semaphore(%arg20 : memref<!tpu.dma_semaphore, #tpu.memory_space<semaphore_mem>>)
      } else {
      }
      %add3A_368 = arith.constant 2 : i32
      %add3A_369 = arith.addi %add3A_348, %add3A_368 : i32
      %lt3A_370 = arith.constant 80 : i32
      %lt3A_371 = arith.cmpi slt, %add3A_369, %lt3A_370 : i32
      %convert_element_type3A_372 = arith.extui %lt3A_371 : i1 to i32
      %cond3A_373 = arith.constant 0 : i32
      %cond3A_374 = arith.cmpi ne, %convert_element_type3A_372, %cond3A_373 : i32
      scf.if %cond3A_374 {
        %add3A_418 = arith.constant 2 : i32
        %add3A_419 = arith.addi %add3A_348, %add3A_418 : i32
        %add3A_420 = arith.addi %mul3A_15, %add3A_419 : i32
        %mul3A_421 = arith.constant 128 : i32
        %mul3A_422 = arith.muli %add3A_420, %mul3A_421 : i32
        %dma_start3A_423 = arith.constant 0 : i32
        %dma_start3A_424 = arith.constant 0 : i32
        %dma_start3A_425 = tpu.memref_slice %arg7[%dma_start3A_423, %dma_start3A_424] : memref<3x128xi32, #tpu.memory_space<vmem>> -> memref<1x128xi32, #tpu.memory_space<vmem>>
        %dma_start3A_426 = tpu.memref_squeeze %dma_start3A_425 : memref<1x128xi32, #tpu.memory_space<vmem>> -> memref<128xi32, #tpu.memory_space<vmem>>
        %dma_start3A_427 = tpu.memref_slice %arg3[%mul3A_422] : memref<163840xi32, #tpu.memory_space<hbm>> -> memref<128xi32, #tpu.memory_space<hbm>>
        %dma_start3A_428 = arith.constant 0 : i32
        %dma_start3A_429 = tpu.memref_slice %arg7[%dma_start3A_423, %dma_start3A_428] : memref<3x128xi32, #tpu.memory_space<vmem>> -> memref<1x128xi32, #tpu.memory_space<vmem>>
        %dma_start3A_430 = tpu.memref_squeeze %dma_start3A_429 : memref<1x128xi32, #tpu.memory_space<vmem>> -> memref<128xi32, #tpu.memory_space<vmem>>
        %dma_start3A_431 = tpu.memref_slice %arg3[%mul3A_422] : memref<163840xi32, #tpu.memory_space<hbm>> -> memref<128xi32, #tpu.memory_space<hbm>>
        tpu.enqueue_dma source(%dma_start3A_431 : memref<128xi32, #tpu.memory_space<hbm>>) target(%dma_start3A_430 : memref<128xi32, #tpu.memory_space<vmem>>) target_semaphore(%arg17 : memref<!tpu.dma_semaphore, #tpu.memory_space<semaphore_mem>>)
        %dma_start3A_432 = arith.constant 1 : i32
        %dma_start3A_433 = arith.constant 0 : i32
        %dma_start3A_434 = tpu.memref_slice %arg7[%dma_start3A_432, %dma_start3A_433] : memref<3x128xi32, #tpu.memory_space<vmem>> -> memref<1x128xi32, #tpu.memory_space<vmem>>
        %dma_start3A_435 = tpu.memref_squeeze %dma_start3A_434 : memref<1x128xi32, #tpu.memory_space<vmem>> -> memref<128xi32, #tpu.memory_space<vmem>>
        %dma_start3A_436 = tpu.memref_slice %arg4[%mul3A_422] : memref<163840xi32, #tpu.memory_space<hbm>> -> memref<128xi32, #tpu.memory_space<hbm>>
        %dma_start3A_437 = arith.constant 0 : i32
        %dma_start3A_438 = tpu.memref_slice %arg7[%dma_start3A_432, %dma_start3A_437] : memref<3x128xi32, #tpu.memory_space<vmem>> -> memref<1x128xi32, #tpu.memory_space<vmem>>
        %dma_start3A_439 = tpu.memref_squeeze %dma_start3A_438 : memref<1x128xi32, #tpu.memory_space<vmem>> -> memref<128xi32, #tpu.memory_space<vmem>>
        %dma_start3A_440 = tpu.memref_slice %arg4[%mul3A_422] : memref<163840xi32, #tpu.memory_space<hbm>> -> memref<128xi32, #tpu.memory_space<hbm>>
        tpu.enqueue_dma source(%dma_start3A_440 : memref<128xi32, #tpu.memory_space<hbm>>) target(%dma_start3A_439 : memref<128xi32, #tpu.memory_space<vmem>>) target_semaphore(%arg17 : memref<!tpu.dma_semaphore, #tpu.memory_space<semaphore_mem>>)
        %dma_start3A_441 = arith.constant 2 : i32
        %dma_start3A_442 = arith.constant 0 : i32
        %dma_start3A_443 = tpu.memref_slice %arg7[%dma_start3A_441, %dma_start3A_442] : memref<3x128xi32, #tpu.memory_space<vmem>> -> memref<1x128xi32, #tpu.memory_space<vmem>>
        %dma_start3A_444 = tpu.memref_squeeze %dma_start3A_443 : memref<1x128xi32, #tpu.memory_space<vmem>> -> memref<128xi32, #tpu.memory_space<vmem>>
        %dma_start3A_445 = tpu.memref_slice %arg5[%mul3A_422] : memref<163840xi32, #tpu.memory_space<hbm>> -> memref<128xi32, #tpu.memory_space<hbm>>
        %dma_start3A_446 = arith.constant 0 : i32
        %dma_start3A_447 = tpu.memref_slice %arg7[%dma_start3A_441, %dma_start3A_446] : memref<3x128xi32, #tpu.memory_space<vmem>> -> memref<1x128xi32, #tpu.memory_space<vmem>>
        %dma_start3A_448 = tpu.memref_squeeze %dma_start3A_447 : memref<1x128xi32, #tpu.memory_space<vmem>> -> memref<128xi32, #tpu.memory_space<vmem>>
        %dma_start3A_449 = tpu.memref_slice %arg5[%mul3A_422] : memref<163840xi32, #tpu.memory_space<hbm>> -> memref<128xi32, #tpu.memory_space<hbm>>
        tpu.enqueue_dma source(%dma_start3A_449 : memref<128xi32, #tpu.memory_space<hbm>>) target(%dma_start3A_448 : memref<128xi32, #tpu.memory_space<vmem>>) target_semaphore(%arg17 : memref<!tpu.dma_semaphore, #tpu.memory_space<semaphore_mem>>)
      } else {
      }
      %lt3A_375 = arith.constant 80 : i32
      %lt3A_376 = arith.cmpi slt, %add3A_348, %lt3A_375 : i32
      %convert_element_type3A_377 = arith.extui %lt3A_376 : i1 to i32
      %cond3A_378 = arith.constant 0 : i32
      %cond3A_379 = arith.cmpi ne, %convert_element_type3A_377, %cond3A_378 : i32
      scf.if %cond3A_379 {
        %dma_wait3A_418 = arith.constant 0 : i32
        %dma_wait3A_419 = arith.constant 0 : i32
        %dma_wait3A_420 = tpu.memref_slice %arg2[%dma_wait3A_418, %dma_wait3A_419] : memref<140000x128xf32, #tpu.memory_space<hbm>> -> memref<140000x128xf32, #tpu.memory_space<hbm>>
        tpu.wait_indirect_dma semaphore(%arg19 : memref<!tpu.dma_semaphore, #tpu.memory_space<semaphore_mem>>) src(%dma_wait3A_420 : memref<140000x128xf32, #tpu.memory_space<hbm>>) dst(%arg13 : memref<128x128xf32, #tpu.memory_space<vmem>>)
        %dma_start3A_421 = arith.constant 0 : i32
        %dma_start3A_422 = arith.constant 0 : i32
        %dma_start3A_423 = tpu.memref_slice %arg16[%dma_start3A_421, %dma_start3A_422] : memref<10240x128xf32, #tpu.memory_space<vmem_shared>> -> memref<10240x128xf32, #tpu.memory_space<vmem_shared>>
        tpu.enqueue_indirect_dma source(%arg13 : memref<128x128xf32, #tpu.memory_space<vmem>>) target(%dma_start3A_423 : memref<10240x128xf32, #tpu.memory_space<vmem_shared>>) offsets(%arg11 : memref<128xi32, #tpu.memory_space<vmem>>) semaphore(%arg21 : memref<!tpu.dma_semaphore, #tpu.memory_space<semaphore_mem>>) {add = true}
      } else {
      }
      %mul3A_380 = arith.constant 2 : i32
      %mul3A_381 = arith.muli %mul3A_380, %scan3A_344 : i32
      %add3A_382 = arith.constant 1 : i32
      %add3A_383 = arith.addi %mul3A_381, %add3A_382 : i32
      %add3A_384 = arith.constant 1 : i32
      %add3A_385 = arith.addi %add3A_383, %add3A_384 : i32
      %lt3A_386 = arith.constant 80 : i32
      %lt3A_387 = arith.cmpi slt, %add3A_385, %lt3A_386 : i32
      %convert_element_type3A_388 = arith.extui %lt3A_387 : i1 to i32
      %cond3A_389 = arith.constant 0 : i32
      %cond3A_390 = arith.cmpi ne, %convert_element_type3A_388, %cond3A_389 : i32
      scf.if %cond3A_390 {
        %add3A_418 = arith.constant 1 : i32
        %add3A_419 = arith.addi %add3A_383, %add3A_418 : i32
        %add3A_420 = arith.addi %mul3A_15, %add3A_419 : i32
        %mul3A_421 = arith.constant 128 : i32
        %mul3A_422 = arith.muli %add3A_420, %mul3A_421 : i32
        %dma_wait3A_423 = arith.constant 0 : i32
        %dma_wait3A_424 = arith.constant 0 : i32
        %dma_wait3A_425 = tpu.memref_slice %arg7[%dma_wait3A_423, %dma_wait3A_424] : memref<3x128xi32, #tpu.memory_space<vmem>> -> memref<1x128xi32, #tpu.memory_space<vmem>>
        %dma_wait3A_426 = tpu.memref_squeeze %dma_wait3A_425 : memref<1x128xi32, #tpu.memory_space<vmem>> -> memref<128xi32, #tpu.memory_space<vmem>>
        %dma_wait3A_427 = tpu.memref_slice %arg3[%mul3A_422] : memref<163840xi32, #tpu.memory_space<hbm>> -> memref<128xi32, #tpu.memory_space<hbm>>
        %dma_wait3A_428 = arith.constant 0 : i32
        %dma_wait3A_429 = tpu.memref_slice %arg7[%dma_wait3A_423, %dma_wait3A_428] : memref<3x128xi32, #tpu.memory_space<vmem>> -> memref<1x128xi32, #tpu.memory_space<vmem>>
        %dma_wait3A_430 = tpu.memref_squeeze %dma_wait3A_429 : memref<1x128xi32, #tpu.memory_space<vmem>> -> memref<128xi32, #tpu.memory_space<vmem>>
        %dma_wait3A_431 = tpu.memref_slice %arg3[%mul3A_422] : memref<163840xi32, #tpu.memory_space<hbm>> -> memref<128xi32, #tpu.memory_space<hbm>>
        tpu.wait_dma2 semaphore(%arg17 : memref<!tpu.dma_semaphore, #tpu.memory_space<semaphore_mem>>) src(%dma_wait3A_431 : memref<128xi32, #tpu.memory_space<hbm>>) dst(%dma_wait3A_430 : memref<128xi32, #tpu.memory_space<vmem>>)
        %dma_wait3A_432 = arith.constant 1 : i32
        %dma_wait3A_433 = arith.constant 0 : i32
        %dma_wait3A_434 = tpu.memref_slice %arg7[%dma_wait3A_432, %dma_wait3A_433] : memref<3x128xi32, #tpu.memory_space<vmem>> -> memref<1x128xi32, #tpu.memory_space<vmem>>
        %dma_wait3A_435 = tpu.memref_squeeze %dma_wait3A_434 : memref<1x128xi32, #tpu.memory_space<vmem>> -> memref<128xi32, #tpu.memory_space<vmem>>
        %dma_wait3A_436 = tpu.memref_slice %arg4[%mul3A_422] : memref<163840xi32, #tpu.memory_space<hbm>> -> memref<128xi32, #tpu.memory_space<hbm>>
        %dma_wait3A_437 = arith.constant 0 : i32
        %dma_wait3A_438 = tpu.memref_slice %arg7[%dma_wait3A_432, %dma_wait3A_437] : memref<3x128xi32, #tpu.memory_space<vmem>> -> memref<1x128xi32, #tpu.memory_space<vmem>>
        %dma_wait3A_439 = tpu.memref_squeeze %dma_wait3A_438 : memref<1x128xi32, #tpu.memory_space<vmem>> -> memref<128xi32, #tpu.memory_space<vmem>>
        %dma_wait3A_440 = tpu.memref_slice %arg4[%mul3A_422] : memref<163840xi32, #tpu.memory_space<hbm>> -> memref<128xi32, #tpu.memory_space<hbm>>
        tpu.wait_dma2 semaphore(%arg17 : memref<!tpu.dma_semaphore, #tpu.memory_space<semaphore_mem>>) src(%dma_wait3A_440 : memref<128xi32, #tpu.memory_space<hbm>>) dst(%dma_wait3A_439 : memref<128xi32, #tpu.memory_space<vmem>>)
        %dma_wait3A_441 = arith.constant 2 : i32
        %dma_wait3A_442 = arith.constant 0 : i32
        %dma_wait3A_443 = tpu.memref_slice %arg7[%dma_wait3A_441, %dma_wait3A_442] : memref<3x128xi32, #tpu.memory_space<vmem>> -> memref<1x128xi32, #tpu.memory_space<vmem>>
        %dma_wait3A_444 = tpu.memref_squeeze %dma_wait3A_443 : memref<1x128xi32, #tpu.memory_space<vmem>> -> memref<128xi32, #tpu.memory_space<vmem>>
        %dma_wait3A_445 = tpu.memref_slice %arg5[%mul3A_422] : memref<163840xi32, #tpu.memory_space<hbm>> -> memref<128xi32, #tpu.memory_space<hbm>>
        %dma_wait3A_446 = arith.constant 0 : i32
        %dma_wait3A_447 = tpu.memref_slice %arg7[%dma_wait3A_441, %dma_wait3A_446] : memref<3x128xi32, #tpu.memory_space<vmem>> -> memref<1x128xi32, #tpu.memory_space<vmem>>
        %dma_wait3A_448 = tpu.memref_squeeze %dma_wait3A_447 : memref<1x128xi32, #tpu.memory_space<vmem>> -> memref<128xi32, #tpu.memory_space<vmem>>
        %dma_wait3A_449 = tpu.memref_slice %arg5[%mul3A_422] : memref<163840xi32, #tpu.memory_space<hbm>> -> memref<128xi32, #tpu.memory_space<hbm>>
        tpu.wait_dma2 semaphore(%arg17 : memref<!tpu.dma_semaphore, #tpu.memory_space<semaphore_mem>>) src(%dma_wait3A_449 : memref<128xi32, #tpu.memory_space<hbm>>) dst(%dma_wait3A_448 : memref<128xi32, #tpu.memory_space<vmem>>)
      } else {
      }
      %gt3A_391 = arith.constant 0 : i32
      %gt3A_392 = arith.cmpi sgt, %add3A_383, %gt3A_391 : i32
      %le3A_393 = arith.constant 80 : i32
      %le3A_394 = arith.cmpi sle, %add3A_383, %le3A_393 : i32
      %and3A_395 = arith.andi %gt3A_392, %le3A_394 : i1
      %convert_element_type3A_396 = arith.extui %and3A_395 : i1 to i32
      %cond3A_397 = arith.constant 0 : i32
      %cond3A_398 = arith.cmpi ne, %convert_element_type3A_396, %cond3A_397 : i32
      scf.if %cond3A_398 {
        %dma_wait3A_418 = arith.constant 0 : i32
        %dma_wait3A_419 = arith.constant 0 : i32
        %dma_wait3A_420 = tpu.memref_slice %arg16[%dma_wait3A_418, %dma_wait3A_419] : memref<10240x128xf32, #tpu.memory_space<vmem_shared>> -> memref<10240x128xf32, #tpu.memory_space<vmem_shared>>
        tpu.wait_indirect_dma semaphore(%arg21 : memref<!tpu.dma_semaphore, #tpu.memory_space<semaphore_mem>>) src(%arg13 : memref<128x128xf32, #tpu.memory_space<vmem>>) dst(%dma_wait3A_420 : memref<10240x128xf32, #tpu.memory_space<vmem_shared>>)
      } else {
      }
      %add3A_399 = arith.constant 1 : i32
      %add3A_400 = arith.addi %add3A_383, %add3A_399 : i32
      %lt3A_401 = arith.constant 80 : i32
      %lt3A_402 = arith.cmpi slt, %add3A_400, %lt3A_401 : i32
      %convert_element_type3A_403 = arith.extui %lt3A_402 : i1 to i32
      %cond3A_404 = arith.constant 0 : i32
      %cond3A_405 = arith.cmpi ne, %convert_element_type3A_403, %cond3A_404 : i32
      scf.if %cond3A_405 {
        %get3A_418 = arith.constant 1 : i32
        %get3A_419 = arith.index_cast %get3A_418 : i32 to index
        %get3A_420 = arith.constant 0 : index
        %get3A_421 = tpu.vector_load %arg7[%get3A_419, %get3A_420] {strides = array<i32>} : memref<3x128xi32, #tpu.memory_space<vmem>>, vector<1x16xi32>,
        %get3A_422 = vector.shape_cast %get3A_421 : vector<1x16xi32> to vector<16xi32>
        %mul3A_423 = arith.constant 10000 : i32
        %mul3A_424 = vector.broadcast %mul3A_423 : i32 to vector<16xi32>
        %mul3A_425 = arith.muli %get3A_422, %mul3A_424 : vector<16xi32>
        %get3A_426 = arith.constant 0 : i32
        %get3A_427 = arith.index_cast %get3A_426 : i32 to index
        %get3A_428 = arith.constant 0 : index
        %get3A_429 = tpu.vector_load %arg7[%get3A_427, %get3A_428] {strides = array<i32>} : memref<3x128xi32, #tpu.memory_space<vmem>>, vector<1x16xi32>,
        %get3A_430 = vector.shape_cast %get3A_429 : vector<1x16xi32> to vector<16xi32>
        %add3A_431 = arith.addi %mul3A_425, %get3A_430 : vector<16xi32>
        %add3A_432 = arith.addi %add3A_431, %broadcast_in_dim3A_13 : vector<16xi32>
        %swap3A_433 = arith.constant 0 : index
        %swap3A_434 = tpu.vector_load %arg9[%swap3A_433] {strides = array<i32>} : memref<128xi32, #tpu.memory_space<vmem>>, vector<16xi32>,
        %swap3A_435 = vector.shape_cast %swap3A_434 : vector<16xi32> to vector<16xi32>
        %swap3A_436 = vector.shape_cast %add3A_432 : vector<16xi32> to vector<16xi32>
        tpu.vector_store %arg9[%swap3A_433], %swap3A_436 {strides = array<i32>} : memref<128xi32, #tpu.memory_space<vmem>>, vector<16xi32>,
        %get3A_437 = arith.constant 2 : i32
        %get3A_438 = arith.index_cast %get3A_437 : i32 to index
        %get3A_439 = arith.constant 0 : index
        %get3A_440 = tpu.vector_load %arg7[%get3A_438, %get3A_439] {strides = array<i32>} : memref<3x128xi32, #tpu.memory_space<vmem>>, vector<1x16xi32>,
        %get3A_441 = vector.shape_cast %get3A_440 : vector<1x16xi32> to vector<16xi32>
        %swap3A_442 = arith.constant 0 : index
        %swap3A_443 = tpu.vector_load %arg11[%swap3A_442] {strides = array<i32>} : memref<128xi32, #tpu.memory_space<vmem>>, vector<16xi32>,
        %swap3A_444 = vector.shape_cast %swap3A_443 : vector<16xi32> to vector<16xi32>
        %swap3A_445 = vector.shape_cast %get3A_441 : vector<16xi32> to vector<16xi32>
        tpu.vector_store %arg11[%swap3A_442], %swap3A_445 {strides = array<i32>} : memref<128xi32, #tpu.memory_space<vmem>>, vector<16xi32>,
        %get3A_446 = arith.constant 1 : i32
        %get3A_447 = arith.index_cast %get3A_446 : i32 to index
        %get3A_448 = arith.constant 16 : index
        %get3A_449 = tpu.vector_load %arg7[%get3A_447, %get3A_448] {strides = array<i32>} : memref<3x128xi32, #tpu.memory_space<vmem>>, vector<1x16xi32>,
        %get3A_450 = vector.shape_cast %get3A_449 : vector<1x16xi32> to vector<16xi32>
        %mul3A_451 = arith.constant 10000 : i32
        %mul3A_452 = vector.broadcast %mul3A_451 : i32 to vector<16xi32>
        %mul3A_453 = arith.muli %get3A_450, %mul3A_452 : vector<16xi32>
        %get3A_454 = arith.constant 0 : i32
        %get3A_455 = arith.index_cast %get3A_454 : i32 to index
        %get3A_456 = arith.constant 16 : index
        %get3A_457 = tpu.vector_load %arg7[%get3A_455, %get3A_456] {strides = array<i32>} : memref<3x128xi32, #tpu.memory_space<vmem>>, vector<1x16xi32>,
        %get3A_458 = vector.shape_cast %get3A_457 : vector<1x16xi32> to vector<16xi32>
        %add3A_459 = arith.addi %mul3A_453, %get3A_458 : vector<16xi32>
        %add3A_460 = arith.addi %add3A_459, %broadcast_in_dim3A_13 : vector<16xi32>
        %swap3A_461 = arith.constant 16 : index
        %swap3A_462 = tpu.vector_load %arg9[%swap3A_461] {strides = array<i32>} : memref<128xi32, #tpu.memory_space<vmem>>, vector<16xi32>,
        %swap3A_463 = vector.shape_cast %swap3A_462 : vector<16xi32> to vector<16xi32>
        %swap3A_464 = vector.shape_cast %add3A_460 : vector<16xi32> to vector<16xi32>
        tpu.vector_store %arg9[%swap3A_461], %swap3A_464 {strides = array<i32>} : memref<128xi32, #tpu.memory_space<vmem>>, vector<16xi32>,
        %get3A_465 = arith.constant 2 : i32
        %get3A_466 = arith.index_cast %get3A_465 : i32 to index
        %get3A_467 = arith.constant 16 : index
        %get3A_468 = tpu.vector_load %arg7[%get3A_466, %get3A_467] {strides = array<i32>} : memref<3x128xi32, #tpu.memory_space<vmem>>, vector<1x16xi32>,
        %get3A_469 = vector.shape_cast %get3A_468 : vector<1x16xi32> to vector<16xi32>
        %swap3A_470 = arith.constant 16 : index
        %swap3A_471 = tpu.vector_load %arg11[%swap3A_470] {strides = array<i32>} : memref<128xi32, #tpu.memory_space<vmem>>, vector<16xi32>,
        %swap3A_472 = vector.shape_cast %swap3A_471 : vector<16xi32> to vector<16xi32>
        %swap3A_473 = vector.shape_cast %get3A_469 : vector<16xi32> to vector<16xi32>
        tpu.vector_store %arg11[%swap3A_470], %swap3A_473 {strides = array<i32>} : memref<128xi32, #tpu.memory_space<vmem>>, vector<16xi32>,
        %get3A_474 = arith.constant 1 : i32
        %get3A_475 = arith.index_cast %get3A_474 : i32 to index
        %get3A_476 = arith.constant 32 : index
        %get3A_477 = tpu.vector_load %arg7[%get3A_475, %get3A_476] {strides = array<i32>} : memref<3x128xi32, #tpu.memory_space<vmem>>, vector<1x16xi32>,
        %get3A_478 = vector.shape_cast %get3A_477 : vector<1x16xi32> to vector<16xi32>
        %mul3A_479 = arith.constant 10000 : i32
        %mul3A_480 = vector.broadcast %mul3A_479 : i32 to vector<16xi32>
        %mul3A_481 = arith.muli %get3A_478, %mul3A_480 : vector<16xi32>
        %get3A_482 = arith.constant 0 : i32
        %get3A_483 = arith.index_cast %get3A_482 : i32 to index
        %get3A_484 = arith.constant 32 : index
        %get3A_485 = tpu.vector_load %arg7[%get3A_483, %get3A_484] {strides = array<i32>} : memref<3x128xi32, #tpu.memory_space<vmem>>, vector<1x16xi32>,
        %get3A_486 = vector.shape_cast %get3A_485 : vector<1x16xi32> to vector<16xi32>
        %add3A_487 = arith.addi %mul3A_481, %get3A_486 : vector<16xi32>
        %add3A_488 = arith.addi %add3A_487, %broadcast_in_dim3A_13 : vector<16xi32>
        %swap3A_489 = arith.constant 32 : index
        %swap3A_490 = tpu.vector_load %arg9[%swap3A_489] {strides = array<i32>} : memref<128xi32, #tpu.memory_space<vmem>>, vector<16xi32>,
        %swap3A_491 = vector.shape_cast %swap3A_490 : vector<16xi32> to vector<16xi32>
        %swap3A_492 = vector.shape_cast %add3A_488 : vector<16xi32> to vector<16xi32>
        tpu.vector_store %arg9[%swap3A_489], %swap3A_492 {strides = array<i32>} : memref<128xi32, #tpu.memory_space<vmem>>, vector<16xi32>,
        %get3A_493 = arith.constant 2 : i32
        %get3A_494 = arith.index_cast %get3A_493 : i32 to index
        %get3A_495 = arith.constant 32 : index
        %get3A_496 = tpu.vector_load %arg7[%get3A_494, %get3A_495] {strides = array<i32>} : memref<3x128xi32, #tpu.memory_space<vmem>>, vector<1x16xi32>,
        %get3A_497 = vector.shape_cast %get3A_496 : vector<1x16xi32> to vector<16xi32>
        %swap3A_498 = arith.constant 32 : index
        %swap3A_499 = tpu.vector_load %arg11[%swap3A_498] {strides = array<i32>} : memref<128xi32, #tpu.memory_space<vmem>>, vector<16xi32>,
        %swap3A_500 = vector.shape_cast %swap3A_499 : vector<16xi32> to vector<16xi32>
        %swap3A_501 = vector.shape_cast %get3A_497 : vector<16xi32> to vector<16xi32>
        tpu.vector_store %arg11[%swap3A_498], %swap3A_501 {strides = array<i32>} : memref<128xi32, #tpu.memory_space<vmem>>, vector<16xi32>,
        %get3A_502 = arith.constant 1 : i32
        %get3A_503 = arith.index_cast %get3A_502 : i32 to index
        %get3A_504 = arith.constant 48 : index
        %get3A_505 = tpu.vector_load %arg7[%get3A_503, %get3A_504] {strides = array<i32>} : memref<3x128xi32, #tpu.memory_space<vmem>>, vector<1x16xi32>,
        %get3A_506 = vector.shape_cast %get3A_505 : vector<1x16xi32> to vector<16xi32>
        %mul3A_507 = arith.constant 10000 : i32
        %mul3A_508 = vector.broadcast %mul3A_507 : i32 to vector<16xi32>
        %mul3A_509 = arith.muli %get3A_506, %mul3A_508 : vector<16xi32>
        %get3A_510 = arith.constant 0 : i32
        %get3A_511 = arith.index_cast %get3A_510 : i32 to index
        %get3A_512 = arith.constant 48 : index
        %get3A_513 = tpu.vector_load %arg7[%get3A_511, %get3A_512] {strides = array<i32>} : memref<3x128xi32, #tpu.memory_space<vmem>>, vector<1x16xi32>,
        %get3A_514 = vector.shape_cast %get3A_513 : vector<1x16xi32> to vector<16xi32>
        %add3A_515 = arith.addi %mul3A_509, %get3A_514 : vector<16xi32>
        %add3A_516 = arith.addi %add3A_515, %broadcast_in_dim3A_13 : vector<16xi32>
        %swap3A_517 = arith.constant 48 : index
        %swap3A_518 = tpu.vector_load %arg9[%swap3A_517] {strides = array<i32>} : memref<128xi32, #tpu.memory_space<vmem>>, vector<16xi32>,
        %swap3A_519 = vector.shape_cast %swap3A_518 : vector<16xi32> to vector<16xi32>
        %swap3A_520 = vector.shape_cast %add3A_516 : vector<16xi32> to vector<16xi32>
        tpu.vector_store %arg9[%swap3A_517], %swap3A_520 {strides = array<i32>} : memref<128xi32, #tpu.memory_space<vmem>>, vector<16xi32>,
        %get3A_521 = arith.constant 2 : i32
        %get3A_522 = arith.index_cast %get3A_521 : i32 to index
        %get3A_523 = arith.constant 48 : index
        %get3A_524 = tpu.vector_load %arg7[%get3A_522, %get3A_523] {strides = array<i32>} : memref<3x128xi32, #tpu.memory_space<vmem>>, vector<1x16xi32>,
        %get3A_525 = vector.shape_cast %get3A_524 : vector<1x16xi32> to vector<16xi32>
        %swap3A_526 = arith.constant 48 : index
        %swap3A_527 = tpu.vector_load %arg11[%swap3A_526] {strides = array<i32>} : memref<128xi32, #tpu.memory_space<vmem>>, vector<16xi32>,
        %swap3A_528 = vector.shape_cast %swap3A_527 : vector<16xi32> to vector<16xi32>
        %swap3A_529 = vector.shape_cast %get3A_525 : vector<16xi32> to vector<16xi32>
        tpu.vector_store %arg11[%swap3A_526], %swap3A_529 {strides = array<i32>} : memref<128xi32, #tpu.memory_space<vmem>>, vector<16xi32>,
        %get3A_530 = arith.constant 1 : i32
        %get3A_531 = arith.index_cast %get3A_530 : i32 to index
        %get3A_532 = arith.constant 64 : index
        %get3A_533 = tpu.vector_load %arg7[%get3A_531, %get3A_532] {strides = array<i32>} : memref<3x128xi32, #tpu.memory_space<vmem>>, vector<1x16xi32>,
        %get3A_534 = vector.shape_cast %get3A_533 : vector<1x16xi32> to vector<16xi32>
        %mul3A_535 = arith.constant 10000 : i32
        %mul3A_536 = vector.broadcast %mul3A_535 : i32 to vector<16xi32>
        %mul3A_537 = arith.muli %get3A_534, %mul3A_536 : vector<16xi32>
        %get3A_538 = arith.constant 0 : i32
        %get3A_539 = arith.index_cast %get3A_538 : i32 to index
        %get3A_540 = arith.constant 64 : index
        %get3A_541 = tpu.vector_load %arg7[%get3A_539, %get3A_540] {strides = array<i32>} : memref<3x128xi32, #tpu.memory_space<vmem>>, vector<1x16xi32>,
        %get3A_542 = vector.shape_cast %get3A_541 : vector<1x16xi32> to vector<16xi32>
        %add3A_543 = arith.addi %mul3A_537, %get3A_542 : vector<16xi32>
        %add3A_544 = arith.addi %add3A_543, %broadcast_in_dim3A_13 : vector<16xi32>
        %swap3A_545 = arith.constant 64 : index
        %swap3A_546 = tpu.vector_load %arg9[%swap3A_545] {strides = array<i32>} : memref<128xi32, #tpu.memory_space<vmem>>, vector<16xi32>,
        %swap3A_547 = vector.shape_cast %swap3A_546 : vector<16xi32> to vector<16xi32>
        %swap3A_548 = vector.shape_cast %add3A_544 : vector<16xi32> to vector<16xi32>
        tpu.vector_store %arg9[%swap3A_545], %swap3A_548 {strides = array<i32>} : memref<128xi32, #tpu.memory_space<vmem>>, vector<16xi32>,
        %get3A_549 = arith.constant 2 : i32
        %get3A_550 = arith.index_cast %get3A_549 : i32 to index
        %get3A_551 = arith.constant 64 : index
        %get3A_552 = tpu.vector_load %arg7[%get3A_550, %get3A_551] {strides = array<i32>} : memref<3x128xi32, #tpu.memory_space<vmem>>, vector<1x16xi32>,
        %get3A_553 = vector.shape_cast %get3A_552 : vector<1x16xi32> to vector<16xi32>
        %swap3A_554 = arith.constant 64 : index
        %swap3A_555 = tpu.vector_load %arg11[%swap3A_554] {strides = array<i32>} : memref<128xi32, #tpu.memory_space<vmem>>, vector<16xi32>,
        %swap3A_556 = vector.shape_cast %swap3A_555 : vector<16xi32> to vector<16xi32>
        %swap3A_557 = vector.shape_cast %get3A_553 : vector<16xi32> to vector<16xi32>
        tpu.vector_store %arg11[%swap3A_554], %swap3A_557 {strides = array<i32>} : memref<128xi32, #tpu.memory_space<vmem>>, vector<16xi32>,
        %get3A_558 = arith.constant 1 : i32
        %get3A_559 = arith.index_cast %get3A_558 : i32 to index
        %get3A_560 = arith.constant 80 : index
        %get3A_561 = tpu.vector_load %arg7[%get3A_559, %get3A_560] {strides = array<i32>} : memref<3x128xi32, #tpu.memory_space<vmem>>, vector<1x16xi32>,
        %get3A_562 = vector.shape_cast %get3A_561 : vector<1x16xi32> to vector<16xi32>
        %mul3A_563 = arith.constant 10000 : i32
        %mul3A_564 = vector.broadcast %mul3A_563 : i32 to vector<16xi32>
        %mul3A_565 = arith.muli %get3A_562, %mul3A_564 : vector<16xi32>
        %get3A_566 = arith.constant 0 : i32
        %get3A_567 = arith.index_cast %get3A_566 : i32 to index
        %get3A_568 = arith.constant 80 : index
        %get3A_569 = tpu.vector_load %arg7[%get3A_567, %get3A_568] {strides = array<i32>} : memref<3x128xi32, #tpu.memory_space<vmem>>, vector<1x16xi32>,
        %get3A_570 = vector.shape_cast %get3A_569 : vector<1x16xi32> to vector<16xi32>
        %add3A_571 = arith.addi %mul3A_565, %get3A_570 : vector<16xi32>
        %add3A_572 = arith.addi %add3A_571, %broadcast_in_dim3A_13 : vector<16xi32>
        %swap3A_573 = arith.constant 80 : index
        %swap3A_574 = tpu.vector_load %arg9[%swap3A_573] {strides = array<i32>} : memref<128xi32, #tpu.memory_space<vmem>>, vector<16xi32>,
        %swap3A_575 = vector.shape_cast %swap3A_574 : vector<16xi32> to vector<16xi32>
        %swap3A_576 = vector.shape_cast %add3A_572 : vector<16xi32> to vector<16xi32>
        tpu.vector_store %arg9[%swap3A_573], %swap3A_576 {strides = array<i32>} : memref<128xi32, #tpu.memory_space<vmem>>, vector<16xi32>,
        %get3A_577 = arith.constant 2 : i32
        %get3A_578 = arith.index_cast %get3A_577 : i32 to index
        %get3A_579 = arith.constant 80 : index
        %get3A_580 = tpu.vector_load %arg7[%get3A_578, %get3A_579] {strides = array<i32>} : memref<3x128xi32, #tpu.memory_space<vmem>>, vector<1x16xi32>,
        %get3A_581 = vector.shape_cast %get3A_580 : vector<1x16xi32> to vector<16xi32>
        %swap3A_582 = arith.constant 80 : index
        %swap3A_583 = tpu.vector_load %arg11[%swap3A_582] {strides = array<i32>} : memref<128xi32, #tpu.memory_space<vmem>>, vector<16xi32>,
        %swap3A_584 = vector.shape_cast %swap3A_583 : vector<16xi32> to vector<16xi32>
        %swap3A_585 = vector.shape_cast %get3A_581 : vector<16xi32> to vector<16xi32>
        tpu.vector_store %arg11[%swap3A_582], %swap3A_585 {strides = array<i32>} : memref<128xi32, #tpu.memory_space<vmem>>, vector<16xi32>,
        %get3A_586 = arith.constant 1 : i32
        %get3A_587 = arith.index_cast %get3A_586 : i32 to index
        %get3A_588 = arith.constant 96 : index
        %get3A_589 = tpu.vector_load %arg7[%get3A_587, %get3A_588] {strides = array<i32>} : memref<3x128xi32, #tpu.memory_space<vmem>>, vector<1x16xi32>,
        %get3A_590 = vector.shape_cast %get3A_589 : vector<1x16xi32> to vector<16xi32>
        %mul3A_591 = arith.constant 10000 : i32
        %mul3A_592 = vector.broadcast %mul3A_591 : i32 to vector<16xi32>
        %mul3A_593 = arith.muli %get3A_590, %mul3A_592 : vector<16xi32>
        %get3A_594 = arith.constant 0 : i32
        %get3A_595 = arith.index_cast %get3A_594 : i32 to index
        %get3A_596 = arith.constant 96 : index
        %get3A_597 = tpu.vector_load %arg7[%get3A_595, %get3A_596] {strides = array<i32>} : memref<3x128xi32, #tpu.memory_space<vmem>>, vector<1x16xi32>,
        %get3A_598 = vector.shape_cast %get3A_597 : vector<1x16xi32> to vector<16xi32>
        %add3A_599 = arith.addi %mul3A_593, %get3A_598 : vector<16xi32>
        %add3A_600 = arith.addi %add3A_599, %broadcast_in_dim3A_13 : vector<16xi32>
        %swap3A_601 = arith.constant 96 : index
        %swap3A_602 = tpu.vector_load %arg9[%swap3A_601] {strides = array<i32>} : memref<128xi32, #tpu.memory_space<vmem>>, vector<16xi32>,
        %swap3A_603 = vector.shape_cast %swap3A_602 : vector<16xi32> to vector<16xi32>
        %swap3A_604 = vector.shape_cast %add3A_600 : vector<16xi32> to vector<16xi32>
        tpu.vector_store %arg9[%swap3A_601], %swap3A_604 {strides = array<i32>} : memref<128xi32, #tpu.memory_space<vmem>>, vector<16xi32>,
        %get3A_605 = arith.constant 2 : i32
        %get3A_606 = arith.index_cast %get3A_605 : i32 to index
        %get3A_607 = arith.constant 96 : index
        %get3A_608 = tpu.vector_load %arg7[%get3A_606, %get3A_607] {strides = array<i32>} : memref<3x128xi32, #tpu.memory_space<vmem>>, vector<1x16xi32>,
        %get3A_609 = vector.shape_cast %get3A_608 : vector<1x16xi32> to vector<16xi32>
        %swap3A_610 = arith.constant 96 : index
        %swap3A_611 = tpu.vector_load %arg11[%swap3A_610] {strides = array<i32>} : memref<128xi32, #tpu.memory_space<vmem>>, vector<16xi32>,
        %swap3A_612 = vector.shape_cast %swap3A_611 : vector<16xi32> to vector<16xi32>
        %swap3A_613 = vector.shape_cast %get3A_609 : vector<16xi32> to vector<16xi32>
        tpu.vector_store %arg11[%swap3A_610], %swap3A_613 {strides = array<i32>} : memref<128xi32, #tpu.memory_space<vmem>>, vector<16xi32>,
        %get3A_614 = arith.constant 1 : i32
        %get3A_615 = arith.index_cast %get3A_614 : i32 to index
        %get3A_616 = arith.constant 112 : index
        %get3A_617 = tpu.vector_load %arg7[%get3A_615, %get3A_616] {strides = array<i32>} : memref<3x128xi32, #tpu.memory_space<vmem>>, vector<1x16xi32>,
        %get3A_618 = vector.shape_cast %get3A_617 : vector<1x16xi32> to vector<16xi32>
        %mul3A_619 = arith.constant 10000 : i32
        %mul3A_620 = vector.broadcast %mul3A_619 : i32 to vector<16xi32>
        %mul3A_621 = arith.muli %get3A_618, %mul3A_620 : vector<16xi32>
        %get3A_622 = arith.constant 0 : i32
        %get3A_623 = arith.index_cast %get3A_622 : i32 to index
        %get3A_624 = arith.constant 112 : index
        %get3A_625 = tpu.vector_load %arg7[%get3A_623, %get3A_624] {strides = array<i32>} : memref<3x128xi32, #tpu.memory_space<vmem>>, vector<1x16xi32>,
        %get3A_626 = vector.shape_cast %get3A_625 : vector<1x16xi32> to vector<16xi32>
        %add3A_627 = arith.addi %mul3A_621, %get3A_626 : vector<16xi32>
        %add3A_628 = arith.addi %add3A_627, %broadcast_in_dim3A_13 : vector<16xi32>
        %swap3A_629 = arith.constant 112 : index
        %swap3A_630 = tpu.vector_load %arg9[%swap3A_629] {strides = array<i32>} : memref<128xi32, #tpu.memory_space<vmem>>, vector<16xi32>,
        %swap3A_631 = vector.shape_cast %swap3A_630 : vector<16xi32> to vector<16xi32>
        %swap3A_632 = vector.shape_cast %add3A_628 : vector<16xi32> to vector<16xi32>
        tpu.vector_store %arg9[%swap3A_629], %swap3A_632 {strides = array<i32>} : memref<128xi32, #tpu.memory_space<vmem>>, vector<16xi32>,
        %get3A_633 = arith.constant 2 : i32
        %get3A_634 = arith.index_cast %get3A_633 : i32 to index
        %get3A_635 = arith.constant 112 : index
        %get3A_636 = tpu.vector_load %arg7[%get3A_634, %get3A_635] {strides = array<i32>} : memref<3x128xi32, #tpu.memory_space<vmem>>, vector<1x16xi32>,
        %get3A_637 = vector.shape_cast %get3A_636 : vector<1x16xi32> to vector<16xi32>
        %swap3A_638 = arith.constant 112 : index
        %swap3A_639 = tpu.vector_load %arg11[%swap3A_638] {strides = array<i32>} : memref<128xi32, #tpu.memory_space<vmem>>, vector<16xi32>,
        %swap3A_640 = vector.shape_cast %swap3A_639 : vector<16xi32> to vector<16xi32>
        %swap3A_641 = vector.shape_cast %get3A_637 : vector<16xi32> to vector<16xi32>
        tpu.vector_store %arg11[%swap3A_638], %swap3A_641 {strides = array<i32>} : memref<128xi32, #tpu.memory_space<vmem>>, vector<16xi32>,
        %dma_start3A_642 = arith.constant 0 : i32
        %dma_start3A_643 = arith.constant 0 : i32
        %dma_start3A_644 = tpu.memref_slice %arg2[%dma_start3A_642, %dma_start3A_643] : memref<140000x128xf32, #tpu.memory_space<hbm>> -> memref<140000x128xf32, #tpu.memory_space<hbm>>
        tpu.enqueue_indirect_dma source(%dma_start3A_644 : memref<140000x128xf32, #tpu.memory_space<hbm>>) target(%arg13 : memref<128x128xf32, #tpu.memory_space<vmem>>) offsets(%arg9 : memref<128xi32, #tpu.memory_space<vmem>>) semaphore(%arg19 : memref<!tpu.dma_semaphore, #tpu.memory_space<semaphore_mem>>)
      } else {
      }
      %add3A_406 = arith.constant 2 : i32
      %add3A_407 = arith.addi %add3A_383, %add3A_406 : i32
      %lt3A_408 = arith.constant 80 : i32
      %lt3A_409 = arith.cmpi slt, %add3A_407, %lt3A_408 : i32
      %convert_element_type3A_410 = arith.extui %lt3A_409 : i1 to i32
      %cond3A_411 = arith.constant 0 : i32
      %cond3A_412 = arith.cmpi ne, %convert_element_type3A_410, %cond3A_411 : i32
      scf.if %cond3A_412 {
        %add3A_418 = arith.constant 2 : i32
        %add3A_419 = arith.addi %add3A_383, %add3A_418 : i32
        %add3A_420 = arith.addi %mul3A_15, %add3A_419 : i32
        %mul3A_421 = arith.constant 128 : i32
        %mul3A_422 = arith.muli %add3A_420, %mul3A_421 : i32
        %dma_start3A_423 = arith.constant 0 : i32
        %dma_start3A_424 = arith.constant 0 : i32
        %dma_start3A_425 = tpu.memref_slice %arg8[%dma_start3A_423, %dma_start3A_424] : memref<3x128xi32, #tpu.memory_space<vmem>> -> memref<1x128xi32, #tpu.memory_space<vmem>>
        %dma_start3A_426 = tpu.memref_squeeze %dma_start3A_425 : memref<1x128xi32, #tpu.memory_space<vmem>> -> memref<128xi32, #tpu.memory_space<vmem>>
        %dma_start3A_427 = tpu.memref_slice %arg3[%mul3A_422] : memref<163840xi32, #tpu.memory_space<hbm>> -> memref<128xi32, #tpu.memory_space<hbm>>
        %dma_start3A_428 = arith.constant 0 : i32
        %dma_start3A_429 = tpu.memref_slice %arg8[%dma_start3A_423, %dma_start3A_428] : memref<3x128xi32, #tpu.memory_space<vmem>> -> memref<1x128xi32, #tpu.memory_space<vmem>>
        %dma_start3A_430 = tpu.memref_squeeze %dma_start3A_429 : memref<1x128xi32, #tpu.memory_space<vmem>> -> memref<128xi32, #tpu.memory_space<vmem>>
        %dma_start3A_431 = tpu.memref_slice %arg3[%mul3A_422] : memref<163840xi32, #tpu.memory_space<hbm>> -> memref<128xi32, #tpu.memory_space<hbm>>
        tpu.enqueue_dma source(%dma_start3A_431 : memref<128xi32, #tpu.memory_space<hbm>>) target(%dma_start3A_430 : memref<128xi32, #tpu.memory_space<vmem>>) target_semaphore(%arg18 : memref<!tpu.dma_semaphore, #tpu.memory_space<semaphore_mem>>)
        %dma_start3A_432 = arith.constant 1 : i32
        %dma_start3A_433 = arith.constant 0 : i32
        %dma_start3A_434 = tpu.memref_slice %arg8[%dma_start3A_432, %dma_start3A_433] : memref<3x128xi32, #tpu.memory_space<vmem>> -> memref<1x128xi32, #tpu.memory_space<vmem>>
        %dma_start3A_435 = tpu.memref_squeeze %dma_start3A_434 : memref<1x128xi32, #tpu.memory_space<vmem>> -> memref<128xi32, #tpu.memory_space<vmem>>
        %dma_start3A_436 = tpu.memref_slice %arg4[%mul3A_422] : memref<163840xi32, #tpu.memory_space<hbm>> -> memref<128xi32, #tpu.memory_space<hbm>>
        %dma_start3A_437 = arith.constant 0 : i32
        %dma_start3A_438 = tpu.memref_slice %arg8[%dma_start3A_432, %dma_start3A_437] : memref<3x128xi32, #tpu.memory_space<vmem>> -> memref<1x128xi32, #tpu.memory_space<vmem>>
        %dma_start3A_439 = tpu.memref_squeeze %dma_start3A_438 : memref<1x128xi32, #tpu.memory_space<vmem>> -> memref<128xi32, #tpu.memory_space<vmem>>
        %dma_start3A_440 = tpu.memref_slice %arg4[%mul3A_422] : memref<163840xi32, #tpu.memory_space<hbm>> -> memref<128xi32, #tpu.memory_space<hbm>>
        tpu.enqueue_dma source(%dma_start3A_440 : memref<128xi32, #tpu.memory_space<hbm>>) target(%dma_start3A_439 : memref<128xi32, #tpu.memory_space<vmem>>) target_semaphore(%arg18 : memref<!tpu.dma_semaphore, #tpu.memory_space<semaphore_mem>>)
        %dma_start3A_441 = arith.constant 2 : i32
        %dma_start3A_442 = arith.constant 0 : i32
        %dma_start3A_443 = tpu.memref_slice %arg8[%dma_start3A_441, %dma_start3A_442] : memref<3x128xi32, #tpu.memory_space<vmem>> -> memref<1x128xi32, #tpu.memory_space<vmem>>
        %dma_start3A_444 = tpu.memref_squeeze %dma_start3A_443 : memref<1x128xi32, #tpu.memory_space<vmem>> -> memref<128xi32, #tpu.memory_space<vmem>>
        %dma_start3A_445 = tpu.memref_slice %arg5[%mul3A_422] : memref<163840xi32, #tpu.memory_space<hbm>> -> memref<128xi32, #tpu.memory_space<hbm>>
        %dma_start3A_446 = arith.constant 0 : i32
        %dma_start3A_447 = tpu.memref_slice %arg8[%dma_start3A_441, %dma_start3A_446] : memref<3x128xi32, #tpu.memory_space<vmem>> -> memref<1x128xi32, #tpu.memory_space<vmem>>
        %dma_start3A_448 = tpu.memref_squeeze %dma_start3A_447 : memref<1x128xi32, #tpu.memory_space<vmem>> -> memref<128xi32, #tpu.memory_space<vmem>>
        %dma_start3A_449 = tpu.memref_slice %arg5[%mul3A_422] : memref<163840xi32, #tpu.memory_space<hbm>> -> memref<128xi32, #tpu.memory_space<hbm>>
        tpu.enqueue_dma source(%dma_start3A_449 : memref<128xi32, #tpu.memory_space<hbm>>) target(%dma_start3A_448 : memref<128xi32, #tpu.memory_space<vmem>>) target_semaphore(%arg18 : memref<!tpu.dma_semaphore, #tpu.memory_space<semaphore_mem>>)
      } else {
      }
      %lt3A_413 = arith.constant 80 : i32
      %lt3A_414 = arith.cmpi slt, %add3A_383, %lt3A_413 : i32
      %convert_element_type3A_415 = arith.extui %lt3A_414 : i1 to i32
      %cond3A_416 = arith.constant 0 : i32
      %cond3A_417 = arith.cmpi ne, %convert_element_type3A_415, %cond3A_416 : i32
      scf.if %cond3A_417 {
        %dma_wait3A_418 = arith.constant 0 : i32
        %dma_wait3A_419 = arith.constant 0 : i32
        %dma_wait3A_420 = tpu.memref_slice %arg2[%dma_wait3A_418, %dma_wait3A_419] : memref<140000x128xf32, #tpu.memory_space<hbm>> -> memref<140000x128xf32, #tpu.memory_space<hbm>>
        tpu.wait_indirect_dma semaphore(%arg20 : memref<!tpu.dma_semaphore, #tpu.memory_space<semaphore_mem>>) src(%dma_wait3A_420 : memref<140000x128xf32, #tpu.memory_space<hbm>>) dst(%arg14 : memref<128x128xf32, #tpu.memory_space<vmem>>)
        %dma_start3A_421 = arith.constant 0 : i32
        %dma_start3A_422 = arith.constant 0 : i32
        %dma_start3A_423 = tpu.memref_slice %arg16[%dma_start3A_421, %dma_start3A_422] : memref<10240x128xf32, #tpu.memory_space<vmem_shared>> -> memref<10240x128xf32, #tpu.memory_space<vmem_shared>>
        tpu.enqueue_indirect_dma source(%arg14 : memref<128x128xf32, #tpu.memory_space<vmem>>) target(%dma_start3A_423 : memref<10240x128xf32, #tpu.memory_space<vmem_shared>>) offsets(%arg12 : memref<128xi32, #tpu.memory_space<vmem>>) semaphore(%arg22 : memref<!tpu.dma_semaphore, #tpu.memory_space<semaphore_mem>>) {add = true}
      } else {
      }
    }
    %scan3A_336 = arith.constant 41 : i32
    %barrier3A_337 = arith.constant 0 : index
    tpu.barrier barrier_id(%barrier3A_337)
    %lt3A = arith.constant 15 : i32
    "tpu.trace_stop"() : () -> ()
    "tpu.trace_start"() <{level = 10 : i32, message = "raw_out"}> : () -> ()
    %lt3A_338 = arith.cmpi slt, %arg1, %lt3A : i32
    %convert_element_type3A = arith.extui %lt3A_338 : i1 to i32
    %cond3A = arith.constant 0 : i32
    %cond3A_339 = arith.cmpi ne, %convert_element_type3A, %cond3A : i32
    scf.if %cond3A_339 {
      %mul3A_344 = arith.constant 640 : i32
      %mul3A_345 = arith.muli %arg1, %mul3A_344 : i32
      %mul3A_346 = arith.constant 640 : i32
      %mul3A_347 = arith.muli %arg1, %mul3A_346 : i32
      "tpu.region"() ({
        %run_scoped3A = tpu.sem_alloc : memref<!tpu.dma_semaphore, #tpu.memory_space<semaphore_mem>>
        %dma_start3A_348 = arith.constant 0 : i32
        %dma_start3A_349 = tpu.memref_slice %arg6[%arg0, %mul3A_347, %dma_start3A_348] : memref<2x10000x128xf32, #tpu.memory_space<hbm>> -> memref<1x640x128xf32, #tpu.memory_space<hbm>>
        %dma_start3A_350 = tpu.memref_squeeze %dma_start3A_349 : memref<1x640x128xf32, #tpu.memory_space<hbm>> -> memref<640x128xf32, #tpu.memory_space<hbm>>
        %dma_start3A_351 = arith.constant 0 : i32
        %dma_start3A_352 = tpu.memref_slice %arg16[%mul3A_345, %dma_start3A_351] : memref<10240x128xf32, #tpu.memory_space<vmem_shared>> -> memref<640x128xf32, #tpu.memory_space<vmem_shared>>
        tpu.enqueue_dma source(%dma_start3A_352 : memref<640x128xf32, #tpu.memory_space<vmem_shared>>) target(%dma_start3A_350 : memref<640x128xf32, #tpu.memory_space<hbm>>) target_semaphore(%run_scoped3A : memref<!tpu.dma_semaphore, #tpu.memory_space<semaphore_mem>>)
        %dma_wait3A_353 = arith.constant 0 : i32
        %dma_wait3A_354 = tpu.memref_slice %arg6[%arg0, %mul3A_347, %dma_wait3A_353] : memref<2x10000x128xf32, #tpu.memory_space<hbm>> -> memref<1x640x128xf32, #tpu.memory_space<hbm>>
        %dma_wait3A_355 = tpu.memref_squeeze %dma_wait3A_354 : memref<1x640x128xf32, #tpu.memory_space<hbm>> -> memref<640x128xf32, #tpu.memory_space<hbm>>
        %dma_wait3A_356 = arith.constant 0 : i32
        %dma_wait3A_357 = tpu.memref_slice %arg16[%mul3A_345, %dma_wait3A_356] : memref<10240x128xf32, #tpu.memory_space<vmem_shared>> -> memref<640x128xf32, #tpu.memory_space<vmem_shared>>
        tpu.wait_dma2 semaphore(%run_scoped3A : memref<!tpu.dma_semaphore, #tpu.memory_space<semaphore_mem>>) src(%dma_wait3A_357 : memref<640x128xf32, #tpu.memory_space<vmem_shared>>) dst(%dma_wait3A_355 : memref<640x128xf32, #tpu.memory_space<hbm>>)
        tpu.yield
      }) : () -> ()
    } else {
    }
    %eq3A = arith.constant 15 : i32
    %eq3A_340 = arith.cmpi eq, %arg1, %eq3A : i32
    %convert_element_type3A_341 = arith.extui %eq3A_340 : i1 to i32
    %cond3A_342 = arith.constant 0 : i32
    %cond3A_343 = arith.cmpi ne, %convert_element_type3A_341, %cond3A_342 : i32
    scf.if %cond3A_343 {
      "tpu.region"() ({
        %run_scoped3A = tpu.sem_alloc : memref<!tpu.dma_semaphore, #tpu.memory_space<semaphore_mem>>
        %dma_start3A_344 = arith.constant 9600 : i32
        %dma_start3A_345 = arith.constant 0 : i32
        %dma_start3A_346 = tpu.memref_slice %arg6[%arg0, %dma_start3A_344, %dma_start3A_345] : memref<2x10000x128xf32, #tpu.memory_space<hbm>> -> memref<1x400x128xf32, #tpu.memory_space<hbm>>
        %dma_start3A_347 = tpu.memref_squeeze %dma_start3A_346 : memref<1x400x128xf32, #tpu.memory_space<hbm>> -> memref<400x128xf32, #tpu.memory_space<hbm>>
        %dma_start3A_348 = arith.constant 9600 : i32
        %dma_start3A_349 = arith.constant 0 : i32
        %dma_start3A_350 = tpu.memref_slice %arg16[%dma_start3A_348, %dma_start3A_349] : memref<10240x128xf32, #tpu.memory_space<vmem_shared>> -> memref<400x128xf32, #tpu.memory_space<vmem_shared>>
        tpu.enqueue_dma source(%dma_start3A_350 : memref<400x128xf32, #tpu.memory_space<vmem_shared>>) target(%dma_start3A_347 : memref<400x128xf32, #tpu.memory_space<hbm>>) target_semaphore(%run_scoped3A : memref<!tpu.dma_semaphore, #tpu.memory_space<semaphore_mem>>)
        %dma_wait3A_351 = arith.constant 9600 : i32
        %dma_wait3A_352 = arith.constant 0 : i32
        %dma_wait3A_353 = tpu.memref_slice %arg6[%arg0, %dma_wait3A_351, %dma_wait3A_352] : memref<2x10000x128xf32, #tpu.memory_space<hbm>> -> memref<1x400x128xf32, #tpu.memory_space<hbm>>
        %dma_wait3A_354 = tpu.memref_squeeze %dma_wait3A_353 : memref<1x400x128xf32, #tpu.memory_space<hbm>> -> memref<400x128xf32, #tpu.memory_space<hbm>>
        %dma_wait3A_355 = arith.constant 9600 : i32
        %dma_wait3A_356 = arith.constant 0 : i32
        %dma_wait3A_357 = tpu.memref_slice %arg16[%dma_wait3A_355, %dma_wait3A_356] : memref<10240x128xf32, #tpu.memory_space<vmem_shared>> -> memref<400x128xf32, #tpu.memory_space<vmem_shared>>
        tpu.wait_dma2 semaphore(%run_scoped3A : memref<!tpu.dma_semaphore, #tpu.memory_space<semaphore_mem>>) src(%dma_wait3A_357 : memref<400x128xf32, #tpu.memory_space<vmem_shared>>) dst(%dma_wait3A_354 : memref<400x128xf32, #tpu.memory_space<hbm>>)
        tpu.yield
      }) : () -> ()
    } else {
    }
    "tpu.trace_stop"() : () -> ()
    return
  }
}

module attributes {stable_mosaic.version = 14 : i64} {
  func.func @_tc_body(%arg0: i32, %arg1: i32, %arg2: memref<10000x256xf32, #tpu.memory_space<vmem>>, %arg3: memref<128x256xf32, #tpu.memory_space<vmem>>, %arg4: memref<10000x128xf32, #tpu.memory_space<vmem>>) attributes {dimension_semantics = [#tpu.dimension_semantics<arbitrary>, #tpu.dimension_semantics<arbitrary>], iteration_bounds = array<i64: 2, 7>, scalar_prefetch = 0 : i64, scratch_operands = 0 : i64, tpu.core_type = #tpu.core_type<tc>, window_params = [{pipeline_mode = #tpu.pipeline_mode<synchronous>, transform_indices = @transform_0, window_bounds = array<i64: 10000, 256>}, {transform_indices = @transform_1, window_bounds = array<i64: 128, 256>}, {transform_indices = @transform_2, window_bounds = array<i64: 10000, 128>}]} {
    %get3A = arith.constant 0 : index
    %get3A_0 = arith.constant 0 : index
    %get3A_1 = vector.load %arg2[%get3A, %get3A_0] : memref<10000x256xf32, #tpu.memory_space<vmem>>, vector<10000x256xf32>
    %get3A_2 = arith.constant 0 : index
    %get3A_3 = arith.constant 0 : index
    %get3A_4 = vector.load %arg3[%get3A_2, %get3A_3] : memref<128x256xf32, #tpu.memory_space<vmem>>, vector<128x256xf32>
    %dot_general3A = arith.constant dense<0.000000e+00> : vector<10000x128xf32>
    %dot_general3A_5 = tpu.matmul %get3A_1, %get3A_4, %dot_general3A {dimension_numbers = #tpu.dot_dimension_numbers<[1], [1], [0], [0], [0, 0, 1, 0], [], []>, transpose_lhs_hint = false} : vector<10000x256xf32>, vector<128x256xf32>, vector<10000x128xf32> -> vector<10000x128xf32>
    %swap3A = arith.constant 0 : index
    %swap3A_6 = arith.constant 0 : index
    %swap3A_7 = vector.load %arg4[%swap3A, %swap3A_6] : memref<10000x128xf32, #tpu.memory_space<vmem>>, vector<10000x128xf32>
    tpu.vector_store %arg4[%swap3A, %swap3A_6], %dot_general3A_5 {strides = array<i32>} : memref<10000x128xf32, #tpu.memory_space<vmem>>, vector<10000x128xf32>,
    return
  }
  func.func @transform_0(%arg0: i32, %arg1: i32) -> (i32, i32) {
    %c0_i32 = arith.constant 0 : i32
    %c0_i32_0 = arith.constant 0 : i32
    %c0_i32_1 = arith.constant 0 : i32
    return %c0_i32, %c0_i32_0 : i32, i32
  }
  func.func @transform_1(%arg0: i32, %arg1: i32) -> (i32, i32) {
    %c0_i32 = arith.constant 0 : i32
    return %arg0, %arg1 : i32, i32
  }
  func.func @transform_2(%arg0: i32, %arg1: i32) -> (i32, i32) {
    %mul3A = arith.constant 7 : i32
    %mul3A_0 = arith.muli %arg0, %mul3A : i32
    %add3A = arith.addi %mul3A_0, %arg1 : i32
    %c0_i32 = arith.constant 0 : i32
    %c0_i32_1 = arith.constant 0 : i32
    return %add3A, %c0_i32 : i32, i32
  }
}

module attributes {stable_mosaic.version = 14 : i64} {
  func.func @_tc_epilogue_body(%arg0: i32, %arg1: memref<1x2000x128xf32, #tpu.memory_space<vmem>>, %arg2: memref<1x2000x128xf32, #tpu.memory_space<vmem>>, %arg3: memref<1x256xf32, #tpu.memory_space<vmem>>, %arg4: memref<2000x256xf32, #tpu.memory_space<vmem>>) attributes {dimension_semantics = [#tpu.dimension_semantics<arbitrary>], iteration_bounds = array<i64: 5>, scalar_prefetch = 0 : i64, scratch_operands = 0 : i64, tpu.core_type = #tpu.core_type<tc>, window_params = [{transform_indices = @transform_0, window_bounds = array<i64: 1, 2000, 128>}, {transform_indices = @transform_1, window_bounds = array<i64: 1, 2000, 128>}, {pipeline_mode = #tpu.pipeline_mode<synchronous>, transform_indices = @transform_2, window_bounds = array<i64: 1, 256>}, {transform_indices = @transform_3, window_bounds = array<i64: 2000, 256>}]} {
    %get3A = arith.constant 0 : index
    %get3A_0 = arith.constant 0 : index
    %get3A_1 = arith.constant 0 : index
    %get3A_2 = vector.load %arg1[%get3A, %get3A_0, %get3A_1] : memref<1x2000x128xf32, #tpu.memory_space<vmem>>, vector<1x2000x128xf32>
    %get3A_3 = vector.shape_cast %get3A_2 : vector<1x2000x128xf32> to vector<2000x128xf32>
    %get3A_4 = arith.constant 0 : index
    %get3A_5 = arith.constant 0 : index
    %get3A_6 = arith.constant 0 : index
    %get3A_7 = vector.load %arg2[%get3A_4, %get3A_5, %get3A_6] : memref<1x2000x128xf32, #tpu.memory_space<vmem>>, vector<1x2000x128xf32>
    %get3A_8 = vector.shape_cast %get3A_7 : vector<1x2000x128xf32> to vector<2000x128xf32>
    %concatenate3A = tpu.concatenate %get3A_3, %get3A_8 in 1 : vector<2000x128xf32>, vector<2000x128xf32> -> vector<2000x256xf32>
    %get3A_9 = arith.constant 0 : index
    %get3A_10 = arith.constant 0 : index
    %get3A_11 = vector.load %arg3[%get3A_9, %get3A_10] : memref<1x256xf32, #tpu.memory_space<vmem>>, vector<1x256xf32>
    %add3A = vector.broadcast %get3A_11 : vector<1x256xf32> to vector<2000x256xf32>
    %add3A_12 = arith.addf %concatenate3A, %add3A : vector<2000x256xf32>
    %max3A = arith.constant 0.000000e+00 : f32
    %max3A_13 = vector.broadcast %max3A : f32 to vector<2000x256xf32>
    %max3A_14 = arith.maximumf %add3A_12, %max3A_13 : vector<2000x256xf32>
    %swap3A = arith.constant 0 : index
    %swap3A_15 = arith.constant 0 : index
    %swap3A_16 = vector.load %arg4[%swap3A, %swap3A_15] : memref<2000x256xf32, #tpu.memory_space<vmem>>, vector<2000x256xf32>
    tpu.vector_store %arg4[%swap3A, %swap3A_15], %max3A_14 {strides = array<i32>} : memref<2000x256xf32, #tpu.memory_space<vmem>>, vector<2000x256xf32>,
    return
  }
  func.func @transform_0(%arg0: i32) -> (i32, i32, i32) {
    %c0_i32 = arith.constant 0 : i32
    %c0_i32_0 = arith.constant 0 : i32
    %c0_i32_1 = arith.constant 0 : i32
    return %c0_i32, %arg0, %c0_i32_0 : i32, i32, i32
  }
  func.func @transform_1(%arg0: i32) -> (i32, i32, i32) {
    %c1_i32 = arith.constant 1 : i32
    %c0_i32 = arith.constant 0 : i32
    %c0_i32_0 = arith.constant 0 : i32
    return %c1_i32, %arg0, %c0_i32 : i32, i32, i32
  }
  func.func @transform_2(%arg0: i32) -> (i32, i32) {
    %c0_i32 = arith.constant 0 : i32
    %c0_i32_0 = arith.constant 0 : i32
    %c0_i32_1 = arith.constant 0 : i32
    return %c0_i32, %c0_i32_0 : i32, i32
  }
  func.func @transform_3(%arg0: i32) -> (i32, i32) {
    %c0_i32 = arith.constant 0 : i32
    %c0_i32_0 = arith.constant 0 : i32
    return %arg0, %c0_i32 : i32, i32
  }
}

</mosaic_0001>

<sc_bundles>
// kernel: kernel.5.cloned.1.call-start
scs
__scs_entry_jumppad:
0x0: {  	(pc) =	sbr.rel $0x88, $3  }
0x1: {  	(tag) =	ssettag $0x0;
	lr =	simm.s32 $0x1  }
0x2: {  	[smem:$0x3F9C] =	sst lr;
	_ =	strace $0xD0000000  }
0x3: {  	_ = 	snop  }
0x4: {  	_ = 	snop  }
0x5: {  	_ = 	snop  }
0x6: {  	_ = 	snop  }
0x7: {  	_ = 	snop  }
__scs_overlays_trampoline_lowered:
0x8: {  	[smem:$0x3FAB] =	sst s0  }
0x9: {  	[smem:$0x3FAC] =	sst s1  }
0xa: {  	[smem:$0x3FAD] =	sst s2  }
0xb: {  	[smem:$0x3FAE] =	sst s3  }
0xc: {  	[smem:$0x3FAF] =	sst s4  }
0xd: {  	[smem:$0x3FB0] =	sst s5  }
0xe: {  	[smem:$0x3FB1] =	sst s6  }
0xf: {  	[smem:$0x3FB2] =	sst s7  }
0x10: {  	[smem:$0x3FB3] =	sst s8  }
0x11: {  	[smem:$0x3FB4] =	sst s9;
	s0 =	simm.s32 @!p0 $0x0  }
0x12: {  	s1 =	sld [smem:$0x3F9A];
	s0 =	simm.s32 @p0 $0x1  }
0x13: {  	[smem:$0x3FB5] =	sst s0;
	s0 =	simm.s32 @!p1 $0x0  }
0x14: {  	s2 =	sld [smem:$0x3F99];
	s0 =	simm.s32 @p1 $0x1  }
0x15: {  	[smem:$0x3FB6] =	sst s0;
	s0 =	simm.s32 @!p2 $0x0  }
0x16: {  	s3 =	sld [smem:$0x3FDB];
	s0 =	simm.s32 @p2 $0x1  }
0x17: {  	s4 =	simm.s32 $0x1BF5;
	[smem:$0x3FB8] =	sst s0  }
0x18: {  	s0 =	sld [smem:$0x3F9B];
	_ =	swait.ge [sflag:s4], $0x0  }
0x19: {  	s7 =	sld [smem:$0x3F9C]  }
0x1a: {  	s8 =	sadd.s32 $0xFFFFE003, lr  }
0x1b: {  	s9 =	sadd.s32 $0xFFFFFEF7, lr;
	s5 =	simm.s32 $0xFFFFFFFF;
	p2 =	slt.u32 s8, $0xFFFFF086  }
0x1c: {  	p1 =	slt.u32 s9, $0xF7A;
	s5 =	simm.s32 @!p2 $0x0  }
0x1d: {  	s5 =	simm.s32 @p1 $0x1;
	p0 =	seq.s32 s7, s2  }
0x1e: {  	s7 =	smul.u32 @!p0 $0xF7A, s2;
	p2 =	seq.s32 @!p0 s5, $0x0  }
0x1f: {  	s9 =	smul.u32 $0xF7A, s1;
	s8 =	simm.s32 @!p0 $0x1BF5;
	p2 =	por !p2, p0  }
0x20: {  	[sflag:s8] =	ssyncset.s32 @!p0 $0xFFFFF086;
	s6 =	sadd.s32 @!p0 s3, s7;
	s7 =	simm.s32 @!p0 $0x108  }
0x21: {  	s3 =	sadd.s32 s3, s9;
	s6 =	sadd.s32 @!p0 $0x88, s6;
	s7 =	simm.s32 @p2 $0x1082  }
0x22: {  	[simem:s7], [sflag:s8] =	dma.local @!p0 [hbm:s6], $0xF7A  }
0x23: {  	s9 =	sor.u32 $0xD0000000, s2;
	s6 =	simm.s32 $0x108;
	_ =	swait.ge @!p0 [sflag:s8], $0x0  }
0x24: {  	s3 =	sadd.s32 $0x88, s3;
	s6 =	simm.s32 @!p1 $0x1082;
	[sflag:s4] =	ssyncset.s32 $0xFFFFF086  }
0x25: {  	[simem:s6], [sflag:s4] =	dma.local [hbm:s3], $0xF7A  }
0x26: {  	[smem:$0x3F9C] =	sst s1;
	(tag) =	ssettag s2;
	_ =	strace s9  }
0x27: {  	s1 =	sld [smem:$0x3FAC]  }
0x28: {  	s2 =	sld [smem:$0x3FAD]  }
0x29: {  	s4 =	sld [smem:$0x3FAF]  }
0x2a: {  	p0 =	seq.s32 s5, $0x0;
	s5 =	sld [smem:$0x3FB0]  }
0x2b: {  	s6 =	sld [smem:$0x3FB1]  }
0x2c: {  	s7 =	sld [smem:$0x3FB2]  }
0x2d: {  	s3 =	simm.s32 $0x108;
	s8 =	sld [smem:$0x3FB3]  }
0x2e: {  	s3 =	simm.s32 @!p0 $0x1082;
	s9 =	sld [smem:$0x3FB4]  }
0x2f: {  	lr =	sadd.s32 s0, s3;
	s0 =	sld [smem:$0x3FAB]  }
0x30: {  	s3 =	sld [smem:$0x3FAE]  }
0x31: {  	[smem:$0x3FB7] =	sst s10  }
0x32: {  	s10 =	sld [smem:$0x3FB5];
	_ =	sdelay $0x3  }
0x33: {  	p0 =	seq.s32 s10, $0x1;
	s10 =	sld [smem:$0x3FB7];
	_ =	sdelay $0x3  }
0x34: {  	[smem:$0x3FB7] =	sst s10  }
0x35: {  	s10 =	sld [smem:$0x3FB6];
	_ =	sdelay $0x3  }
0x36: {  	p1 =	seq.s32 s10, $0x1;
	s10 =	sld [smem:$0x3FB7];
	_ =	sdelay $0x3  }
0x37: {  	[smem:$0x3FB7] =	sst s10  }
0x38: {  	s10 =	sld [smem:$0x3FB8]  }
0x39: {  	_ = 	snop;
	(pc) =	sbr.ind lr, $3  }
0x3a: {  	_ = 	snop  }
0x3b: {  	_ = 	snop  }
0x3c: {  	p2 =	seq.s32 s10, $0x1;
	s10 =	sld [smem:$0x3FB7]  }
0x3d: {  	_ =	shalt  }
0x3e: {  	_ =	shalt  }
0x3f: {  	_ =	shalt  }
0x40: {  	_ =	shalt  }
0x41: {  	_ =	shalt  }
0x42: {  	_ =	shalt  }
0x43: {  	_ =	shalt  }
0x44: {  	_ =	shalt  }
0x45: {  	_ =	shalt  }
0x46: {  	_ =	shalt  }
0x47: {  	_ =	shalt  }
0x48: {  	_ =	shalt  }
0x49: {  	_ =	shalt  }
0x4a: {  	_ =	shalt  }
0x4b: {  	_ =	shalt  }
0x4c: {  	_ =	shalt  }
0x4d: {  	_ =	shalt  }
0x4e: {  	_ =	shalt  }
0x4f: {  	_ =	shalt  }
0x50: {  	_ =	shalt  }
0x51: {  	_ =	shalt  }
0x52: {  	_ =	shalt  }
0x53: {  	_ =	shalt  }
0x54: {  	_ =	shalt  }
0x55: {  	_ =	shalt  }
0x56: {  	_ =	shalt  }
0x57: {  	_ =	shalt  }
0x58: {  	_ =	shalt  }
0x59: {  	_ =	shalt  }
0x5a: {  	_ =	shalt  }
0x5b: {  	_ =	shalt  }
0x5c: {  	_ =	shalt  }
0x5d: {  	_ =	shalt  }
0x5e: {  	_ =	shalt  }
0x5f: {  	_ =	shalt  }
0x60: {  	_ =	shalt  }
0x61: {  	_ =	shalt  }
0x62: {  	_ =	shalt  }
0x63: {  	_ =	shalt  }
0x64: {  	_ =	shalt  }
0x65: {  	_ =	shalt  }
0x66: {  	_ =	shalt  }
0x67: {  	_ =	shalt  }
0x68: {  	_ =	shalt  }
0x69: {  	_ =	shalt  }
0x6a: {  	_ =	shalt  }
0x6b: {  	_ =	shalt  }
0x6c: {  	_ =	shalt  }
0x6d: {  	_ =	shalt  }
0x6e: {  	_ =	shalt  }
0x6f: {  	_ =	shalt  }
0x70: {  	_ =	shalt  }
0x71: {  	_ =	shalt  }
0x72: {  	_ =	shalt  }
0x73: {  	_ =	shalt  }
0x74: {  	_ =	shalt  }
0x75: {  	_ =	shalt  }
0x76: {  	_ =	shalt  }
0x77: {  	_ =	shalt  }
0x78: {  	_ =	shalt  }
0x79: {  	_ =	shalt  }
0x7a: {  	_ =	shalt  }
0x7b: {  	_ =	shalt  }
0x7c: {  	_ =	shalt  }
0x7d: {  	_ =	shalt  }
0x7e: {  	_ =	shalt  }
0x7f: {  	_ =	shalt  }
0x80: {  	_ =	shalt  }
0x81: {  	_ =	shalt  }
0x82: {  	_ =	shalt  }
0x83: {  	_ =	shalt  }
0x84: {  	_ =	shalt  }
0x85: {  	_ =	shalt  }
0x86: {  	_ =	shalt  }
0x87: {  	_ =	shalt  }
.Lfunc_end0:
.L_simem_size_0:
called_computation_lowered:
.L_overlay_start_0:
0x88: {  	s2 =	sld [smem:$0x3FD9]  }
0x89: {  	s3 =	sld [smem:$0x3FFE];
	_ =	sdelay $0x1  }
0x8a: {  	s1 =	srdreg.scid  }
0x8b: {  	s0 =	sand.u32 $0x1, s1  }
0x8c: {  	s17 =	sshll.u32 s0, $0xA;
	s2 =	sadd.s32 s3, s2  }
0x8d: {  	s2 =	sadd.s32 s2, s17  }
0x8e: {  	[smem:$0x3FC3] =	sst s2  }
0x8f: {  	_ = 	snop  }
0x90: {  	s2 =	sld [smem:$0x3FD0];
	(tm) =	ssettm $0x1  }
0x91: {  	s18 =	sld [smem:$0x3FFB];
	_ =	sdelay $0x3  }
0x92: {  	_ =	strace s18  }
0x93: {  	s3 =	sld [smem:$0x3FFC];
	_ =	sdelay $0x3  }
0x94: {  	_ =	strace s3  }
0x95: {  	s3 =	sld [smem:$0x3FFD];
	_ =	sdelay $0x3  }
0x96: {  	_ =	strace s3  }
0x97: {  	_ =	strace $0x8FFFFFFF  }
0x98: {  	s19 =	sld [smem:$0x3FDB];
	_ =	sdelay $0x1  }
0x99: {  	s4 =	simm.s32 $_scs_section_size  }
0x9a: {  	s5 =	simm.s32 $_size__tile_overlayer_lowered;
	s6 =	simm.s32 $_tile_overlayer_lowered  }
0x9b: {  	s22 =	simm.s32 $0x1BFF;
	s21 =	sshll.u32 s6, $0x1;
	s3 =	sadd.s32 s4, s19  }
0x9c: {  	s7 =	simm.s32 $0x0;
	s20 =	sshll.u32 s5, $0x1;
	s5 =	sadd.s32 s21, s3  }
0x9d: {  	[timem:s7], [sflag:s22] =	dma.local [hbm:s5], s20  }
0x9e: {  	_ =	swait.ge [sflag:s22], s20  }
0x9f: {  	s4 =	ssub.s32 $0x0, s20;
	[sflag:s22] =	ssyncset.done $0x0  }
0xa0: {  	[sflag:s22] =	ssyncadd.s32 s4;
	_ =	sdelay $0x1  }
0xa1: {  	s23 =	simm.s32 $0x1B8B  }
0xa2: {  	_ =	swait.ge [sflag:s23], $0x1  }
0xa3: {  	[sflag:s23] =	ssyncset.done $0x0  }
0xa4: {  	s25 =	simm.s32 $0x1B8E;
	s24 =	sld [smem:$0x3FFE];
	[sflag:s23] =	ssyncadd.s32 $0xFFFFFFFF  }
0xa5: {  	s26 =	simm.s32 $execute0_lowered;
	[smem:$0x3FD2] =	sst s25  }
0xa6: {  	s5 =	sshll.u32 s26, $0x1;
	_ =	strace $0x80000046;
	[dreg:$0x1] =	wrdreg $0xFFFFFFFF  }
0xa7: {  	s28 =	simm.s32 $_size_execute0_lowered;
	s3 =	sadd.s32 s3, s5;
	[dreg:$0x0] =	wrdreg $0x0  }
0xa8: {  	s5 =	sshll.u32 s28, $0x1;
	[dreg:$0x2] =	wrdreg s3  }
0xa9: {  	[dreg:$0x3] =	wrdreg s5  }
0xaa: {  	[dreg:$0x4] =	wrdreg $0xC0  }
0xab: {  	_ =	task [dreg:s7], $0x5FFFF  }
0xac: {  	[dreg:$0x1] =	wrdreg $0xFFFFFFFF  }
0xad: {  	[dreg:$0x0] =	wrdreg $0x60  }
0xae: {  	[dreg:$0x2] =	wrdreg s24  }
0xaf: {  	[dreg:$0x3] =	wrdreg s2  }
0xb0: {  	[dreg:$0x4] =	wrdreg $0xA6000  }
0xb1: {  	[dreg:$0x5] =	wrdreg $0x9  }
0xb2: {  	_ =	task.clear_ibuf [dreg:s7], $0x6FFFF;
	_ =	strace $0x90000046  }
0xb3: {  	s29 =	simm.s32 $0x9;
	_ =	strace $0x8000004B  }
0xb4: {  	_ =	swait.ge [sflag:s29], $0x1  }
0xb5: {  	[sflag:s29] =	ssyncadd.s32 $0xFFFFFFFF  }
0xb6: {  	_ =	strace $0x9000004B  }
0xb7: {  	_ =	sfence  }
0xb8: {  	s30 =	sld [smem:$0x0];
	_ =	sdelay $0x2  }
0xb9: {  	s31 =	sshll.u32 s1, $0xD;
	s1 =	sshrl.u32 s1, $0x2  }
0xba: {  	s3 =	sand.u32 $0x4000, s31;
	s1 =	sadd.s32 s1, s30  }
0xbb: {  	s0 =	sor.u32 s3, s0;
	s1 =	sshll.u32 s1, $0x11  }
0xbc: {  	s0 =	sor.u32 s1, s0  }
0xbd: {  	s0 =	sadd.s32 $0x8F2B, s0  }
0xbe: {  	[sflag:s0] =	ssyncadd.remote.s32 $0x1  }
0xbf: {  	_ =	sfence.sel $0xFFFF  }
0xc0: {  	[dreg:$0x0] =	wrdreg $0xFFFFFFFF;
	(pc) =	sbr.abs _section_cstart, $3  }
0xc1: {  	[dreg:$0x1] =	wrdreg $0xFFFFFFFF  }
0xc2: {  	_ =	task.clear_ibuf [dreg:s7], $0x2FFFF;
	_ =	strace $0x9FFFFFFF  }
0xc3: {  	(tm) =	ssettm $0x7FFFFFFF  }
tec
execute0_lowered:
.L_overlay_start_1:
0x0: {  	(tag) =	ssettag $0x1  }
0x1: {  	s0 =	rddreg [dreg:$0x0]  }
0x2: {  	s3 =	rddreg [dreg:$0x1]  }
0x3: {  	s1 =	rddreg [dreg:$0x2];
	s2 =	simm.s32 $0x0  }
0x4: {  	s5 =	srdreg.scid;
	s14 =	stileid.u32;
	s28 =	simm.s32 $0x80  }
0x5: {  	s31 =	simm.s32 $0x280;
	s30 =	simm.s32 $0x100;
	[smem:$0x7FF] =	sst s2  }
0x6: {  	s4 =	sadd.s32 $0x5600, s0;
	s9 =	sadd.s32 $0x228400, s0;
	s6 =	smul.u32 $0x50000, s14  }
0x7: {  	s5 =	sand.u32 $0x1, s5;
	s10 =	sadd.s32 $0x600, s0;
	s11 =	smul.u32 $0x500, s14  }
0x8: {  	s0 =	sadd.s32 $0x22D400, s0;
	s13 =	smul.u32 $0x14000, s14;
	s7 =	ssub.s32 $0x2, s5  }
0x9: {  	p0 =	seq.s32 s14, $0xF;
	s8 =	sshrl.u32 s7, $0x1;
	s6 =	sshrl.u32 s6, $0x2  }
0xa: {  	s12 =	ssub.s32 s7, s8;
	s21 =	sadd.s32 s6, s1;
	s6 =	sadd.s32 s9, s11  }
0xb: {  	s7 =	sadd.s32 s10, s11;
	s8 =	sadd.s32 s0, s11;
	s11 =	sor.u32 $0x10, s11  }
0xc: {  	_ =	strace $0x80000047;
	s9 =	sadd.s32 s9, s11;
	[dreg:$0x4] =	wrdreg s21  }
0xd: {  	s17 =	smul.u32 $0x11170, s5;
	s10 =	sadd.s32 s10, s11;
	[dreg:$0x5] =	wrdreg s9  }
0xe: {  	s5 =	smul.u32 $0x138800, s5;
	s0 =	sadd.s32 s0, s11;
	[dreg:$0x6] =	wrdreg s10  }
0xf: {  	s14 =	simm.s32 $0x3;
	s16 =	smax.u32 s12, $0x1;
	[dreg:$0x7] =	wrdreg s0  }
0x10: {  	s29 =	sadd.s32 s13, s5;
	s18 =	sadd.s32 $0x2000, s21;
	[dreg:$0xa] =	wrdreg s16  }
0x11: {  	s5 =	sshrl.u32 s5, $0x3;
	s19 =	sadd.s32 $0x4000, s21;
	[dreg:$0xb] =	wrdreg s18  }
0x12: {  	v0 =	vmov s17;
	s17 =	simm.s32 $0x4;
	s20 =	sadd.s32 $0x6000, s21;
	[dreg:$0xc] =	wrdreg s19  }
0x13: {  	s5 =	sadd.s32 s3, s5;
	s22 =	sadd.s32 $0x8000, s21;
	[dreg:$0xd] =	wrdreg s20  }
0x14: {  	s23 =	sadd.s32 $0xA000, s21;
	s24 =	sadd.s32 $0xC000, s21;
	[dreg:$0xe] =	wrdreg s22  }
0x15: {  	s25 =	sadd.s32 $0xE000, s21;
	s26 =	sadd.s32 $0x10000, s21;
	[dreg:$0xf] =	wrdreg s23  }
0x16: {  	s11 =	simm.s32 $0x2;
	s12 =	simm.s32 $0x480;
	[dreg:$0x10] =	wrdreg s24  }
0x17: {  	s9 =	sshrl.u32 s29, $0x3;
	s15 =	sadd.s32 $0x25800, s5;
	[dreg:$0x11] =	wrdreg s25  }
0x18: {  	s0 =	sadd.s32 $0x12C000, s1;
	[dreg:$0x12] =	wrdreg s26;
	s29 =	sadd.s32 $0x12000, s21  }
0x19: {  	s25 =	simm.s32 $0x8600;
	s26 =	simm.s32 $0x7;
	s10 =	simm.s32 $0x600  }
.Ltmp0:
0x1a: {  	s16 =	simm.s32 $0x5;
	s18 =	simm.s32 $0x580;
	(pc) =	sbr.rel .LBB2_1-.Ltmp0, $4  }
0x1b: {  	s19 =	simm.s32 $0x0;
	s13 =	sadd.s32 s3, s9;
	[dreg:$0x9] =	wrdreg s15  }
0x1c: {  	[dreg:$0x13] =	wrdreg s29;
	s0 =	sshrl.u32 @p0 s0, $0x3;
	s3 =	simm.s32 $0x1  }
0x1d: {  	s9 =	simm.s32 $0x400;
	s15 =	simm.s32 $0x500;
	[dreg:$0x8] =	wrdreg s13  }
0x1e: {  	v1 =	vimm.f32 $0.0e+00;
	[dreg:$0x14] =	wrdreg s0;
	s0 =	simm.s32 $0x300;
	s13 =	simm.s32 $0x4600  }
.LBB2_11:
0x1f: {  	s5 =	simm.s32 $0x6  }
0x20: {  	_ =	swait.ge [sflag:s5], $0x4000  }
0x21: {  	[sflag:s5] =	ssyncset.done $0x0  }
0x22: {  	[sflag:s5] =	ssyncadd.s32 $0xFFFFC000  }
.LBB2_9:
0x23: {  	[bflag:$0x0] =	sbarrier.arrive $0xFFFF  }
0x24: {  	_ =	strace $0x90000049  }
0x25: {  	_ =	strace $0x8000004A  }
0x26: {  	s20 =	rddreg [dreg:$0x9]  }
0x27: {  	s5 =	simm.s32 @p0 $0x1FC7;
	s21 =	rddreg [dreg:$0x14]  }
0x28: {  	[hbm:s20], [sflag:s5] =	dma.local @p0 [spmem:s21], $0x1900  }
0x29: {  	s5 =	simm.s32 @p0 $0x7  }
0x2a: {  	_ =	swait.ge @p0 [sflag:s5], $0x1900  }
0x2b: {  	s20 =	stileid.u32;
	s21 =	rddreg [dreg:$0x4]  }
0x2c: {  	s20 =	sshll.u32 @!p0 s20, $0x6;
	[sflag:s5] =	ssyncset.done @p0 $0x0;
	s22 =	rddreg [dreg:$0x8]  }
0x2d: {  	[sflag:s5] =	ssyncadd.s32 @p0 $0xFFFFE700;
	s5 =	sor.u32 @!p0 $0x1C07, s20;
	s20 =	sshrl.u32 @!p0 s21, $0x3  }
0x2e: {  	[hbm:s22], [sflag:s5] =	dma.local @!p0 [spmem:s20], $0x2800  }
0x2f: {  	s5 =	simm.s32 @!p0 $0x7  }
0x30: {  	_ =	swait.ge @!p0 [sflag:s5], $0x2800  }
0x31: {  	s19 =	sadd.s32 $0x1, s19;
	s29 =	rddreg [dreg:$0xa]  }
0x32: {  	p1 =	sne.s32 s19, s29  }
.Ltmp1:
0x33: {  	_ = 	snop;
	(pc) =	sbr.rel @!p1 .LBB2_10-.Ltmp1, $4  }
0x34: {  	_ = 	snop  }
0x35: {  	[sflag:s5] =	ssyncset.done @!p0 $0x0  }
0x36: {  	[sflag:s5] =	ssyncadd.s32 @!p0 $0xFFFFD800  }
0x37: {  	_ =	strace $0x9000004A  }
.LBB2_1:
0x38: {  	_ =	strace $0x80000048;
	s5 =	simm.s32 $0x0;
	s20 =	simm.s32 $0x200  }
.LBB2_2:
0x39: {  	p1 =	seq.s32 s20, $0x7E00;
	[tilespmem:s5+$0x8670] =	vst v1  }
0x3a: {  	[tilespmem:s5+$0x8600] =	vst v1  }
0x3b: {  	[tilespmem:s5+$0x8610] =	vst v1  }
.Ltmp2:
0x3c: {  	[tilespmem:s5+$0x8620] =	vst v1;
	(pc) =	sbr.rel @!p1 .LBB2_2-.Ltmp2, $4  }
0x3d: {  	[tilespmem:s5+$0x8630] =	vst v1  }
0x3e: {  	[tilespmem:s5+$0x8640] =	vst v1  }
0x3f: {  	[tilespmem:s5+$0x8650] =	vst v1  }
0x40: {  	[tilespmem:s5+$0x8660] =	vst v1;
	s5 =	sshra.s32 s20, $0x2;
	s20 =	sadd.s32 $0x200, s20  }
0x41: {  	[tilespmem:s5+$0x8670] =	vst v1  }
0x42: {  	[tilespmem:s5+$0x8600] =	vst v1  }
0x43: {  	[tilespmem:s5+$0x8610] =	vst v1  }
0x44: {  	[tilespmem:s5+$0x8620] =	vst v1  }
0x45: {  	[tilespmem:s5+$0x8630] =	vst v1  }
0x46: {  	[tilespmem:s5+$0x8640] =	vst v1  }
0x47: {  	[tilespmem:s5+$0x8650] =	vst v1  }
0x48: {  	[tilespmem:s5+$0x8660] =	vst v1  }
0x49: {  	[spmem:s21] =	stream.linear.scatter [tilespmem:s25], [sflag:$0x7], $0x2000, $0x200038;
	[tilespmem:$0x1E600] =	vst v63  }
0x4a: {  	_ =	swait.ge [sflag:s26], $0x2000  }
0x4b: {  	[sflag:s26] =	ssyncset.done $0x0  }
0x4c: {  	s24 =	rddreg [dreg:$0xb];
	[sflag:s26] =	ssyncadd.s32 $0xFFFFE000  }
0x4d: {  	[spmem:s24] =	stream.linear.scatter [tilespmem:s25], [sflag:$0x7], $0x2000, $0x200038;
	[tilespmem:$0x1E600] =	vst v63  }
0x4e: {  	_ =	swait.ge [sflag:s26], $0x2000  }
0x4f: {  	[sflag:s26] =	ssyncset.done $0x0  }
0x50: {  	s29 =	rddreg [dreg:$0xc];
	[sflag:s26] =	ssyncadd.s32 $0xFFFFE000  }
0x51: {  	[spmem:s29] =	stream.linear.scatter [tilespmem:s25], [sflag:$0x7], $0x2000, $0x200038;
	[tilespmem:$0x1E600] =	vst v63  }
0x52: {  	_ =	swait.ge [sflag:s26], $0x2000  }
0x53: {  	[sflag:s26] =	ssyncset.done $0x0  }
0x54: {  	s20 =	rddreg [dreg:$0xd];
	[sflag:s26] =	ssyncadd.s32 $0xFFFFE000  }
0x55: {  	[spmem:s20] =	stream.linear.scatter [tilespmem:s25], [sflag:$0x7], $0x2000, $0x200038;
	[tilespmem:$0x1E600] =	vst v63  }
0x56: {  	_ =	swait.ge [sflag:s26], $0x2000  }
0x57: {  	[sflag:s26] =	ssyncset.done $0x0  }
0x58: {  	s21 =	rddreg [dreg:$0xe];
	[sflag:s26] =	ssyncadd.s32 $0xFFFFE000  }
0x59: {  	[spmem:s21] =	stream.linear.scatter [tilespmem:s25], [sflag:$0x7], $0x2000, $0x200038;
	[tilespmem:$0x1E600] =	vst v63  }
0x5a: {  	_ =	swait.ge [sflag:s26], $0x2000  }
0x5b: {  	[sflag:s26] =	ssyncset.done $0x0  }
0x5c: {  	s22 =	rddreg [dreg:$0xf];
	[sflag:s26] =	ssyncadd.s32 $0xFFFFE000  }
0x5d: {  	[spmem:s22] =	stream.linear.scatter [tilespmem:s25], [sflag:$0x7], $0x2000, $0x200038;
	[tilespmem:$0x1E600] =	vst v63  }
0x5e: {  	_ =	swait.ge [sflag:s26], $0x2000  }
0x5f: {  	[sflag:s26] =	ssyncset.done $0x0  }
0x60: {  	s23 =	rddreg [dreg:$0x10];
	[sflag:s26] =	ssyncadd.s32 $0xFFFFE000  }
0x61: {  	[spmem:s23] =	stream.linear.scatter [tilespmem:s25], [sflag:$0x7], $0x2000, $0x200038;
	[tilespmem:$0x1E600] =	vst v63  }
0x62: {  	_ =	swait.ge [sflag:s26], $0x2000  }
0x63: {  	[sflag:s26] =	ssyncset.done $0x0  }
0x64: {  	s24 =	rddreg [dreg:$0x11];
	[sflag:s26] =	ssyncadd.s32 $0xFFFFE000  }
0x65: {  	[spmem:s24] =	stream.linear.scatter [tilespmem:s25], [sflag:$0x7], $0x2000, $0x200038;
	[tilespmem:$0x1E600] =	vst v63  }
0x66: {  	_ =	swait.ge [sflag:s26], $0x2000  }
0x67: {  	[sflag:s26] =	ssyncset.done $0x0  }
0x68: {  	s29 =	rddreg [dreg:$0x12];
	[sflag:s26] =	ssyncadd.s32 $0xFFFFE000  }
0x69: {  	[spmem:s29] =	stream.linear.scatter [tilespmem:s25], [sflag:$0x7], $0x2000, $0x200038;
	[tilespmem:$0x1E600] =	vst v63  }
0x6a: {  	_ =	swait.ge [sflag:s26], $0x2000  }
0x6b: {  	[sflag:s26] =	ssyncset.done $0x0  }
0x6c: {  	s20 =	rddreg [dreg:$0x13];
	[sflag:s26] =	ssyncadd.s32 $0xFFFFE000  }
0x6d: {  	[spmem:s20] =	stream.linear.scatter [tilespmem:s25], [sflag:$0x7], $0x2000, $0x200038;
	[tilespmem:$0x1E600] =	vst v63  }
0x6e: {  	_ =	swait.ge [sflag:s26], $0x2000  }
0x6f: {  	[sflag:s26] =	ssyncset.done $0x0  }
0x70: {  	[sflag:s26] =	ssyncadd.s32 $0xFFFFE000  }
0x71: {  	[bflag:$0x0] =	sbarrier.arrive $0xFFFF  }
0x72: {  	_ =	strace $0x90000048  }
0x73: {  	s20 =	simm.s32 $0x0;
	_ =	strace $0x80000049  }
0x74: {  	[tilespmem:s20], [sflag:$0x1] =	stream.linear.gather [hbm4b:s6+s20], $0x80, $0x200038;
	[tilespmem:$0x1E600] =	vst v63  }
0x75: {  	_ = 	snop  }
0x76: {  	[tilespmem:s28], [sflag:$0x1] =	stream.linear.gather [hbm4b:s7+s20], $0x80, $0x200038;
	[tilespmem:$0x1E600] =	vst v63  }
0x77: {  	s21 =	simm.s32 $0x100  }
0x78: {  	[tilespmem:s21], [sflag:$0x1] =	stream.linear.gather [hbm4b:s8+s20], $0x80, $0x200038;
	[tilespmem:$0x1E600] =	vst v63  }
0x79: {  	s23 =	simm.s32 $0x200;
	s22 =	rddreg [dreg:$0x5]  }
0x7a: {  	[tilespmem:s23], [sflag:$0x2] =	stream.linear.gather [hbm4b:s22+s20], $0x80, $0x200038;
	[tilespmem:$0x1E600] =	vst v63  }
0x7b: {  	s24 =	rddreg [dreg:$0x6]  }
0x7c: {  	[tilespmem:s31], [sflag:$0x2] =	stream.linear.gather [hbm4b:s24+s20], $0x80, $0x200038;
	[tilespmem:$0x1E600] =	vst v63  }
0x7d: {  	s29 =	rddreg [dreg:$0x7]  }
0x7e: {  	[tilespmem:s0], [sflag:$0x2] =	stream.linear.gather [hbm4b:s29+s20], $0x80, $0x200038;
	[tilespmem:$0x1E600] =	vst v63  }
0x7f: {  	_ =	swait.ge [sflag:s3], $0x80  }
0x80: {  	[sflag:s3] =	ssyncset.done $0x0  }
0x81: {  	[sflag:s3] =	ssyncadd.s32 $0xFFFFFF80  }
0x82: {  	_ =	swait.ge [sflag:s3], $0x80  }
0x83: {  	[sflag:s3] =	ssyncset.done $0x0  }
0x84: {  	[sflag:s3] =	ssyncadd.s32 $0xFFFFFF80  }
0x85: {  	_ =	swait.ge [sflag:s3], $0x80  }
0x86: {  	[sflag:s3] =	ssyncset.done $0x0  }
0x87: {  	[sflag:s3] =	ssyncadd.s32 $0xFFFFFF80  }
0x88: {  	v2 =	vld [tilespmem:$0x80]  }
0x89: {  	v3 =	vld [tilespmem:$0x0]  }
0x8a: {  	v4 =	vld [tilespmem:$0x100]  }
0x8b: {  	v5 =	vld [tilespmem:$0x90]  }
0x8c: {  	v6 =	vld [tilespmem:$0x10]  }
0x8d: {  	v7 =	vld [tilespmem:$0x110]  }
0x8e: {  	v8 =	vld [tilespmem:$0xA0]  }
0x8f: {  	v9 =	vld [tilespmem:$0x20]  }
0x90: {  	v10 =	vld [tilespmem:$0x120]  }
0x91: {  	v11 =	vld [tilespmem:$0xB0]  }
0x92: {  	v12 =	vld [tilespmem:$0x30]  }
0x93: {  	v13 =	vld [tilespmem:$0x130]  }
0x94: {  	v14 =	vld [tilespmem:$0xC0];
	v2 =	vmul.u32 $0x2710, v2  }
0x95: {  	v53 =	vld [tilespmem:$0x40];
	v3 =	vadd.s32 v0, v3  }
0x96: {  	v54 =	vld [tilespmem:$0x140];
	[tilespmem:$0x500] =	vst v4;
	v2 =	vadd.s32 v2, v3;
	v3 =	vmul.u32 $0x2710, v5  }
0x97: {  	v55 =	vld [tilespmem:$0xD0];
	[tilespmem:$0x400] =	vst v2;
	v2 =	vadd.s32 v0, v6  }
0x98: {  	v56 =	vld [tilespmem:$0x50];
	[tilespmem:$0x510] =	vst v7;
	v2 =	vadd.s32 v3, v2;
	v3 =	vmul.u32 $0x2710, v8  }
0x99: {  	v57 =	vld [tilespmem:$0x150];
	[tilespmem:$0x410] =	vst v2;
	v2 =	vadd.s32 v0, v9  }
0x9a: {  	v58 =	vld [tilespmem:$0xE0];
	[tilespmem:$0x520] =	vst v10;
	v2 =	vadd.s32 v3, v2;
	v3 =	vmul.u32 $0x2710, v11  }
0x9b: {  	v59 =	vld [tilespmem:$0x60];
	[tilespmem:$0x420] =	vst v2;
	v2 =	vadd.s32 v0, v12  }
0x9c: {  	v60 =	vld [tilespmem:$0xF0];
	[tilespmem:$0x530] =	vst v13;
	v2 =	vadd.s32 v3, v2;
	v3 =	vmul.u32 $0x2710, v14  }
0x9d: {  	v62 =	vld [tilespmem:$0x160];
	[tilespmem:$0x430] =	vst v2;
	v2 =	vadd.s32 v0, v53  }
0x9e: {  	v61 =	vld [tilespmem:$0x70];
	[tilespmem:$0x540] =	vst v54;
	v2 =	vadd.s32 v3, v2;
	v3 =	vmul.u32 $0x2710, v55  }
0x9f: {  	v63 =	vld [tilespmem:$0x170];
	[tilespmem:$0x440] =	vst v2;
	v2 =	vadd.s32 v0, v56  }
0xa0: {  	[tilespmem:$0x550] =	vst v57;
	v2 =	vadd.s32 v3, v2;
	v3 =	vmul.u32 $0x2710, v58  }
0xa1: {  	[tilespmem:$0x450] =	vst v2;
	v2 =	vadd.s32 v0, v59  }
.Ltmp3:
0xa2: {  	[tilespmem:$0x560] =	vst v62;
	v2 =	vadd.s32 v3, v2;
	v3 =	vmul.u32 $0x2710, v60;
	(pc) =	sbr.rel .LBB2_4-.Ltmp3, $4  }
0xa3: {  	[tilespmem:$0x460] =	vst v2;
	v2 =	vadd.s32 v0, v61  }
0xa4: {  	[tilespmem:$0x570] =	vst v63;
	v2 =	vadd.s32 v3, v2  }
0xa5: {  	s21 =	simm.s32 $0xFFFFFFFE;
	s22 =	simm.s32 $0x0;
	[tilespmem:$0x470] =	vst v2  }
0xa6: {  	[tilespmem:s10], [sflag:$0x3] =	stream.indirect.gather [hbm4b:s4+s28], $0x80, s9, s28, $0x2000b8;
	[tilespmem:$0x1E600] =	vst v63  }
.LBB2_7:
0xa7: {  	s23 =	sadd.s32 s20, s6  }
0xa8: {  	s24 =	sadd.s32 s20, s7;
	s5 =	sadd.s32 $0x20, s23  }
0xa9: {  	[tilespmem:s2], [sflag:$0x1] =	stream.linear.gather [hbm4b:s5+s2], $0x80, $0x200038;
	[tilespmem:$0x1E600] =	vst v63  }
0xaa: {  	s29 =	sadd.s32 $0x20, s24;
	s5 =	sadd.s32 s20, s8  }
0xab: {  	[tilespmem:s28], [sflag:$0x1] =	stream.linear.gather [hbm4b:s29+s2], $0x80, $0x200038;
	[tilespmem:$0x1E600] =	vst v63  }
0xac: {  	s29 =	sadd.s32 $0x20, s5  }
0xad: {  	[tilespmem:s30], [sflag:$0x1] =	stream.linear.gather [hbm4b:s29+s2], $0x80, $0x200038;
	[tilespmem:$0x1E600] =	vst v63  }
0xae: {  	_ =	swait.ge [sflag:s14], $0x4000  }
0xaf: {  	[sflag:s14] =	ssyncset.done $0x0  }
0xb0: {  	[sflag:s14] =	ssyncadd.s32 $0xFFFFC000  }
0xb1: {  	[spmem:s1] =	stream.indirect.scatter.add.f32 [tilespmem:s10], [sflag:$0x5], $0x80, s15, s28, $0x2000b8;
	[tilespmem:$0x1E600] =	vst v63  }
0xb2: {  	_ =	swait.ge [sflag:s3], $0x80  }
0xb3: {  	[sflag:s3] =	ssyncset.done $0x0  }
0xb4: {  	[sflag:s3] =	ssyncadd.s32 $0xFFFFFF80  }
0xb5: {  	_ =	swait.ge [sflag:s3], $0x80  }
0xb6: {  	[sflag:s3] =	ssyncset.done $0x0  }
0xb7: {  	[sflag:s3] =	ssyncadd.s32 $0xFFFFFF80  }
0xb8: {  	_ =	swait.ge [sflag:s3], $0x80  }
0xb9: {  	[sflag:s3] =	ssyncset.done $0x0  }
0xba: {  	[sflag:s3] =	ssyncadd.s32 $0xFFFFFF80  }
0xbb: {  	_ =	swait.ge [sflag:s16], $0x4000  }
0xbc: {  	[sflag:s16] =	ssyncset.done $0x0  }
0xbd: {  	[sflag:s16] =	ssyncadd.s32 $0xFFFFC000  }
0xbe: {  	v2 =	vld [tilespmem:$0x80]  }
0xbf: {  	v3 =	vld [tilespmem:$0x0]  }
0xc0: {  	v4 =	vld [tilespmem:$0x100]  }
0xc1: {  	v5 =	vld [tilespmem:$0x90]  }
0xc2: {  	v6 =	vld [tilespmem:$0x10]  }
0xc3: {  	v7 =	vld [tilespmem:$0x110]  }
0xc4: {  	v8 =	vld [tilespmem:$0xA0]  }
0xc5: {  	v9 =	vld [tilespmem:$0x20]  }
0xc6: {  	v10 =	vld [tilespmem:$0x120]  }
0xc7: {  	v11 =	vld [tilespmem:$0xB0]  }
0xc8: {  	v12 =	vld [tilespmem:$0x30]  }
0xc9: {  	v13 =	vld [tilespmem:$0x130]  }
0xca: {  	v14 =	vld [tilespmem:$0xC0];
	v2 =	vmul.u32 $0x2710, v2  }
0xcb: {  	v53 =	vld [tilespmem:$0x40];
	v3 =	vadd.s32 v0, v3  }
0xcc: {  	v54 =	vld [tilespmem:$0x140];
	[tilespmem:$0x500] =	vst v4;
	v2 =	vadd.s32 v2, v3;
	v3 =	vmul.u32 $0x2710, v5  }
0xcd: {  	v55 =	vld [tilespmem:$0xD0];
	[tilespmem:$0x400] =	vst v2;
	v2 =	vadd.s32 v0, v6  }
0xce: {  	v56 =	vld [tilespmem:$0x50];
	[tilespmem:$0x510] =	vst v7;
	v2 =	vadd.s32 v3, v2;
	v3 =	vmul.u32 $0x2710, v8  }
0xcf: {  	v57 =	vld [tilespmem:$0x150];
	[tilespmem:$0x410] =	vst v2;
	v2 =	vadd.s32 v0, v9  }
0xd0: {  	v58 =	vld [tilespmem:$0xE0];
	[tilespmem:$0x520] =	vst v10;
	v2 =	vadd.s32 v3, v2;
	v3 =	vmul.u32 $0x2710, v11  }
0xd1: {  	v59 =	vld [tilespmem:$0x60];
	[tilespmem:$0x420] =	vst v2;
	v2 =	vadd.s32 v0, v12  }
0xd2: {  	v60 =	vld [tilespmem:$0xF0];
	[tilespmem:$0x530] =	vst v13;
	v2 =	vadd.s32 v3, v2;
	v3 =	vmul.u32 $0x2710, v14  }
0xd3: {  	v62 =	vld [tilespmem:$0x160];
	[tilespmem:$0x430] =	vst v2;
	v2 =	vadd.s32 v0, v53  }
0xd4: {  	v61 =	vld [tilespmem:$0x70];
	[tilespmem:$0x540] =	vst v54;
	v2 =	vadd.s32 v3, v2;
	v3 =	vmul.u32 $0x2710, v55  }
0xd5: {  	v63 =	vld [tilespmem:$0x170];
	[tilespmem:$0x440] =	vst v2;
	v2 =	vadd.s32 v0, v56  }
0xd6: {  	[tilespmem:$0x550] =	vst v57;
	v2 =	vadd.s32 v3, v2;
	v3 =	vmul.u32 $0x2710, v58  }
0xd7: {  	[tilespmem:$0x450] =	vst v2;
	v2 =	vadd.s32 v0, v59  }
0xd8: {  	[tilespmem:$0x560] =	vst v62;
	v2 =	vadd.s32 v3, v2;
	v3 =	vmul.u32 $0x2710, v60  }
0xd9: {  	[tilespmem:$0x460] =	vst v2;
	v2 =	vadd.s32 v0, v61  }
0xda: {  	[tilespmem:$0x570] =	vst v63;
	v2 =	vadd.s32 v3, v2  }
0xdb: {  	[tilespmem:$0x470] =	vst v2  }
0xdc: {  	[tilespmem:s10], [sflag:$0x3] =	stream.indirect.gather [hbm4b:s4+s28], $0x80, s9, s28, $0x2000b8;
	[tilespmem:$0x1E600] =	vst v63  }
0xdd: {  	s23 =	sadd.s32 $0x30, s23;
	s29 =	simm.s32 $0x200  }
0xde: {  	[tilespmem:s29], [sflag:$0x2] =	stream.linear.gather [hbm4b:s23+s2], $0x80, $0x200038;
	[tilespmem:$0x1E600] =	vst v63  }
0xdf: {  	s29 =	sadd.s32 $0x30, s24  }
0xe0: {  	[tilespmem:s31], [sflag:$0x2] =	stream.linear.gather [hbm4b:s29+s2], $0x80, $0x200038;
	[tilespmem:$0x1E600] =	vst v63  }
0xe1: {  	s5 =	sadd.s32 $0x30, s5  }
0xe2: {  	[tilespmem:s0], [sflag:$0x2] =	stream.linear.gather [hbm4b:s5+s2], $0x80, $0x200038;
	[tilespmem:$0x1E600] =	vst v63  }
.LBB2_8:
0xe3: {  	s20 =	sadd.s32 $0x20, s20  }
0xe4: {  	p1 =	sne.s32 s20, $0x520  }
.Ltmp4:
0xe5: {  	_ = 	snop;
	(pc) =	sbr.rel @!p1 .LBB2_9-.Ltmp4, $4  }
0xe6: {  	_ =	swait.ge [sflag:s17], $0x4000  }
0xe7: {  	[sflag:s17] =	ssyncset.done $0x0  }
0xe8: {  	s22 =	sadd.s32 $0x1, s22;
	s21 =	sadd.s32 $0x2, s21;
	[sflag:s17] =	ssyncadd.s32 $0xFFFFC000  }
0xe9: {  	[spmem:s1] =	stream.indirect.scatter.add.f32 [tilespmem:s13], [sflag:$0x6], $0x80, s18, s28, $0x2000b8;
	[tilespmem:$0x1E600] =	vst v63  }
.LBB2_4:
0xea: {  	p1 =	seq.s32 s20, $0x500  }
.Ltmp5:
0xeb: {  	_ = 	snop;
	(pc) =	sbr.rel @p1 .LBB2_11-.Ltmp5, $1  }
0xec: {  	_ =	sdelay $0x3  }
0xed: {  	_ =	swait.ge [sflag:s11], $0x80  }
0xee: {  	[sflag:s11] =	ssyncset.done $0x0  }
0xef: {  	[sflag:s11] =	ssyncadd.s32 $0xFFFFFF80  }
0xf0: {  	_ =	swait.ge [sflag:s11], $0x80  }
0xf1: {  	[sflag:s11] =	ssyncset.done $0x0  }
0xf2: {  	[sflag:s11] =	ssyncadd.s32 $0xFFFFFF80  }
0xf3: {  	_ =	swait.ge [sflag:s11], $0x80  }
0xf4: {  	p1 =	sgt.u32 s21, $0x4F;
	[sflag:s11] =	ssyncset.done $0x0  }
0xf5: {  	s5 =	simm.s32 @!p1 $0x6;
	[sflag:s11] =	ssyncadd.s32 $0xFFFFFF80  }
0xf6: {  	_ =	swait.ge @!p1 [sflag:s5], $0x4000  }
0xf7: {  	[sflag:s5] =	ssyncset.done @!p1 $0x0  }
0xf8: {  	[sflag:s5] =	ssyncadd.s32 @!p1 $0xFFFFC000  }
0xf9: {  	v2 =	vld [tilespmem:$0x280]  }
0xfa: {  	v3 =	vld [tilespmem:$0x200]  }
0xfb: {  	v4 =	vld [tilespmem:$0x300]  }
0xfc: {  	v5 =	vld [tilespmem:$0x290]  }
0xfd: {  	v6 =	vld [tilespmem:$0x210]  }
0xfe: {  	v7 =	vld [tilespmem:$0x310]  }
0xff: {  	v8 =	vld [tilespmem:$0x2A0]  }
0x100: {  	v9 =	vld [tilespmem:$0x220]  }
0x101: {  	v10 =	vld [tilespmem:$0x320]  }
0x102: {  	v11 =	vld [tilespmem:$0x2B0]  }
0x103: {  	v12 =	vld [tilespmem:$0x230]  }
0x104: {  	v13 =	vld [tilespmem:$0x330]  }
0x105: {  	v14 =	vld [tilespmem:$0x2C0];
	v2 =	vmul.u32 $0x2710, v2  }
0x106: {  	v53 =	vld [tilespmem:$0x240];
	v3 =	vadd.s32 v0, v3  }
0x107: {  	v54 =	vld [tilespmem:$0x340];
	[tilespmem:$0x580] =	vst v4;
	v2 =	vadd.s32 v2, v3;
	v3 =	vmul.u32 $0x2710, v5  }
0x108: {  	v55 =	vld [tilespmem:$0x2D0];
	[tilespmem:$0x480] =	vst v2;
	v2 =	vadd.s32 v0, v6  }
0x109: {  	v56 =	vld [tilespmem:$0x250];
	[tilespmem:$0x590] =	vst v7;
	v2 =	vadd.s32 v3, v2;
	v3 =	vmul.u32 $0x2710, v8  }
0x10a: {  	v57 =	vld [tilespmem:$0x350];
	[tilespmem:$0x490] =	vst v2;
	v2 =	vadd.s32 v0, v9  }
0x10b: {  	v58 =	vld [tilespmem:$0x2E0];
	[tilespmem:$0x5A0] =	vst v10;
	v2 =	vadd.s32 v3, v2;
	v3 =	vmul.u32 $0x2710, v11  }
0x10c: {  	v59 =	vld [tilespmem:$0x260];
	[tilespmem:$0x4A0] =	vst v2;
	v2 =	vadd.s32 v0, v12  }
0x10d: {  	v60 =	vld [tilespmem:$0x2F0];
	[tilespmem:$0x5B0] =	vst v13;
	v2 =	vadd.s32 v3, v2;
	v3 =	vmul.u32 $0x2710, v14  }
0x10e: {  	v62 =	vld [tilespmem:$0x360];
	[tilespmem:$0x4B0] =	vst v2;
	v2 =	vadd.s32 v0, v53  }
0x10f: {  	v61 =	vld [tilespmem:$0x270];
	[tilespmem:$0x5C0] =	vst v54;
	v2 =	vadd.s32 v3, v2;
	v3 =	vmul.u32 $0x2710, v55  }
0x110: {  	v63 =	vld [tilespmem:$0x370];
	[tilespmem:$0x4C0] =	vst v2;
	v2 =	vadd.s32 v0, v56  }
0x111: {  	[tilespmem:$0x5D0] =	vst v57;
	v2 =	vadd.s32 v3, v2;
	v3 =	vmul.u32 $0x2710, v58  }
0x112: {  	p1 =	slt.u32 s22, $0x27;
	[tilespmem:$0x4D0] =	vst v2;
	v2 =	vadd.s32 v0, v59  }
.Ltmp6:
0x113: {  	[tilespmem:$0x5E0] =	vst v62;
	v2 =	vadd.s32 v3, v2;
	v3 =	vmul.u32 $0x2710, v60;
	(pc) =	sbr.rel @p1 .LBB2_7-.Ltmp6, $4  }
0x114: {  	[tilespmem:$0x4E0] =	vst v2;
	v2 =	vadd.s32 v0, v61  }
0x115: {  	[tilespmem:$0x5F0] =	vst v63;
	v2 =	vadd.s32 v3, v2  }
0x116: {  	[tilespmem:$0x4F0] =	vst v2  }
0x117: {  	[tilespmem:s13], [sflag:$0x4] =	stream.indirect.gather [hbm4b:s4+s28], $0x80, s12, s28, $0x2000b8;
	[tilespmem:$0x1E600] =	vst v63  }
0x118: {  	_ =	swait.ge [sflag:s14], $0x4000  }
0x119: {  	p1 =	sne.s32 s20, $0x4E0;
	[sflag:s14] =	ssyncset.done $0x0  }
.Ltmp7:
0x11a: {  	s5 =	simm.s32 @!p1 $0x5;
	[sflag:s14] =	ssyncadd.s32 $0xFFFFC000;
	(pc) =	sbr.rel .LBB2_8-.Ltmp7, $4  }
0x11b: {  	[spmem:s1] =	stream.indirect.scatter.add.f32 [tilespmem:s10], [sflag:$0x5], $0x80, s15, s28, $0x2000b8;
	[tilespmem:$0x1E600] =	vst v63  }
0x11c: {  	_ =	swait.ge @!p1 [sflag:s5], $0x4000  }
0x11d: {  	[sflag:s5] =	ssyncset.done @!p1 $0x0  }
0x11e: {  	[sflag:s5] =	ssyncadd.s32 @!p1 $0xFFFFC000  }
.LBB2_10:
0x11f: {  	_ =	sfence.sel $0x180000  }
0x120: {  	[bflag:$0x0] =	sbarrier.arrive $0xFFFF  }
0x121: {  	_ =	strace $0x90000047  }
0x122: {  	s0 =	stileid.u32;
	[bflag:$0x2] =	sbarrier.arrive $0xFFFF  }
0x123: {  	p0 =	sne.s32 s0, $0x0;
	s0 =	rddreg [dreg:$0x3]  }
0x124: {  	s0 =	sadd.s32 @!p0 $0x100000, s0  }
0x125: {  	[sflag:s0] =	ssyncadd.tile.s32 @!p0 $0x1;
	_ =	shalt  }
.Lfunc_end2:
_tile_overlayer_lowered:
.L_overlay_start_2:
0x126: {  	(tag) =	ssettag $0x2  }
0x127: {  	s0 =	rddreg [dreg:$0x0];
	s2 =	stileid.u32  }
0x128: {  	s1 =	rddreg [dreg:$0x1];
	p0 =	sne.s32 s2, $0x0  }
0x129: {  	s3 =	rddreg [dreg:$0x2];
	[bflag:$0x3] =	sbarrier.arrive $0xFFFF;
	s2 =	simm.s32 @!p0 $0x1C07  }
0x12a: {  	[timem:s3], [sflag:s2] =	dma.local @!p0 [hbm:s0], s1  }
0x12b: {  	s0 =	simm.s32 @!p0 $0x7  }
0x12c: {  	_ =	swait.ge @!p0 [sflag:s0], s1  }
0x12d: {  	s1 =	ssub.s32 @!p0 $0x0, s1;
	[sflag:s0] =	ssyncset.done @!p0 $0x0  }
0x12e: {  	[sflag:s0] =	ssyncadd.s32 @!p0 s1  }
0x12f: {  	[bflag:$0x3] =	sbarrier.arrive $0xFFFF  }
0x130: {  	_ =	shalt  }

</sc_bundles>
